<compile_context>
chip_gen: v7x
topology: tpu7x:2x2x1
jax: 0.10.2.dev20260603
libtpu: 0.0.44.dev20260713+nightly
codegen_flags: <defaults>
</compile_context>

<pallas_src>
import functools

import jax
import jax.numpy as jnp
from jax import lax
from jax.experimental import pallas as pl
from jax.experimental.pallas import tpu as pltpu
from jax.experimental.pallas import tpu_sc as plsc

S = 2048
D = 1024
E = 8
FF = 1024
TOPK = 2
PAIRS = S * TOPK
TM = 256
NPR = PAIRS + E * TM
NB = NPR // TM
NBE = 64
NW = 32
L = 16


def _router_body(x_ref, wg_ref, d1_ref, d2_ref, w1_ref, w2_ref, be_ref):
    x = x_ref[...]
    logits = jnp.dot(x, wg_ref[...], preferred_element_type=jnp.float32)
    lane = lax.broadcasted_iota(jnp.int32, (S, E), 1)
    l1 = jnp.max(logits, axis=1, keepdims=True)
    i1 = jnp.min(jnp.where(logits == l1, lane, E), axis=1, keepdims=True)
    oh1 = lane == i1
    masked = jnp.where(oh1, -jnp.inf, logits)
    l2 = jnp.max(masked, axis=1, keepdims=True)
    i2 = jnp.min(jnp.where(masked == l2, lane, E), axis=1, keepdims=True)
    oh2 = lane == i2
    w1 = 1.0 / (1.0 + jnp.exp(l2 - l1))
    w1_ref[...] = w1
    w2_ref[...] = 1.0 - w1

    oh1f = oh1.astype(jnp.float32)
    oh2f = oh2.astype(jnp.float32)
    ohb = jnp.concatenate([oh1f, oh2f], axis=1)
    CH = 128
    r = lax.broadcasted_iota(jnp.int32, (CH, CH), 0)
    c = lax.broadcasted_iota(jnp.int32, (CH, CH), 1)
    tri = (c < r).astype(jnp.float32)
    csum = jnp.zeros((1, 2 * E), jnp.float32)
    parts = []
    for k in range(S // CH):
        seg = ohb[k * CH:(k + 1) * CH, :]
        parts.append(jnp.dot(tri, seg, preferred_element_type=jnp.float32)
                     + csum)
        csum = csum + jnp.sum(seg, axis=0, keepdims=True)
    excl = jnp.concatenate(parts, axis=0)
    excl1, excl2 = excl[:, :E], excl[:, E:]
    cnt1 = csum[:, :E]
    cnt2 = csum[:, E:]
    cnt_i = (cnt1 + cnt2).astype(jnp.int32)
    pc = (((cnt_i + (TM - 1)) // TM) * TM).astype(jnp.float32)
    ce = lax.broadcasted_iota(jnp.int32, (E, E), 0)
    de = lax.broadcasted_iota(jnp.int32, (E, E), 1)
    tri_e = (ce < de).astype(jnp.float32)
    offp = jnp.dot(pc, tri_e, preferred_element_type=jnp.float32)
    ends = offp + pc
    rank1 = jnp.sum(excl1 * oh1f, axis=1, keepdims=True)
    rank2 = jnp.sum((cnt1 + excl2) * oh2f, axis=1, keepdims=True)
    off1 = jnp.sum(offp * oh1f, axis=1, keepdims=True)
    off2 = jnp.sum(offp * oh2f, axis=1, keepdims=True)
    d1_ref[...] = (off1 + rank1).astype(jnp.int32).reshape(S)
    d2_ref[...] = (off2 + rank2).astype(jnp.int32).reshape(S)

    bpos = (lax.broadcasted_iota(jnp.int32, (1, NBE), 1) * TM).astype(
        jnp.float32)
    lane_e = lax.broadcasted_iota(jnp.int32, (1, E), 1)
    be = jnp.zeros((1, NBE), jnp.float32)
    for e in range(E):
        end_e = jnp.sum(jnp.where(lane_e == e, ends, 0.0), axis=1,
                        keepdims=True)
        be = be + (end_e <= bpos).astype(jnp.float32)
    be_i = jnp.minimum(be, float(E - 1)).astype(jnp.int32)
    tot = jnp.sum(pc, axis=1, keepdims=True).astype(jnp.int32) // TM
    lane_b = lax.broadcasted_iota(jnp.int32, (1, NBE), 1)
    be_ref[...] = jnp.where(lane_b == NBE - 1, tot, be_i)


def _router(x, w_gate):
    return pl.pallas_call(
        _router_body,
        out_shape=[
            jax.ShapeDtypeStruct((S,), jnp.int32),
            jax.ShapeDtypeStruct((S,), jnp.int32),
            jax.ShapeDtypeStruct((S, 1), jnp.float32),
            jax.ShapeDtypeStruct((S, 1), jnp.float32),
            jax.ShapeDtypeStruct((1, NBE), jnp.int32),
        ],
    )(x, w_gate)


TPW = S // NW
YC = 64


@functools.cache
def _sc_kernels():
    mesh = lambda: plsc.VectorSubcoreMesh(
        core_axis_name="c", subcore_axis_name="s")

    @functools.partial(
        pl.kernel,
        out_type=jax.ShapeDtypeStruct((NPR, D), jnp.float32),
        mesh=mesh(),
        scratch_types=[
            pltpu.VMEM((TPW,), jnp.int32),
            pltpu.VMEM((TPW,), jnp.int32),
            pltpu.VMEM((TPW, D), jnp.float32),
            pltpu.SemaphoreType.DMA,
        ],
    )
    def sc_dispatch(x_hbm, d1_hbm, d2_hbm, xs_hbm, d1_v, d2_v, buf_v, sem):
        wid = lax.axis_index("s") * 2 + lax.axis_index("c")
        tbase = wid * TPW
        pltpu.sync_copy(d1_hbm.at[pl.ds(tbase, TPW)], d1_v)
        pltpu.sync_copy(d2_hbm.at[pl.ds(tbase, TPW)], d2_v)
        pltpu.sync_copy(x_hbm.at[pl.ds(tbase, TPW)], buf_v)
        c1 = pltpu.async_copy(buf_v, xs_hbm.at[d1_v], sem)
        c2 = pltpu.async_copy(buf_v, xs_hbm.at[d2_v], sem)
        c1.wait()
        c2.wait()

    @functools.partial(
        pl.kernel,
        out_type=jax.ShapeDtypeStruct((PAIRS, D), jnp.float32),
        mesh=mesh(),
        scratch_types=[
            pltpu.VMEM((YC,), jnp.int32),
            pltpu.VMEM((YC, D), jnp.float32),
            pltpu.SemaphoreType.DMA,
        ],
    )
    def sc_gather_y(ys_hbm, d1_hbm, d2_hbm, y2_hbm, idx_v, buf_v, sem):
        wid = lax.axis_index("s") * 2 + lax.axis_index("c")
        tbase = wid * YC
        pltpu.sync_copy(d1_hbm.at[pl.ds(tbase, YC)], idx_v)
        pltpu.async_copy(ys_hbm.at[idx_v], buf_v, sem).wait()
        pltpu.sync_copy(buf_v, y2_hbm.at[pl.ds(tbase, YC)])
        pltpu.sync_copy(d2_hbm.at[pl.ds(tbase, YC)], idx_v)
        pltpu.async_copy(ys_hbm.at[idx_v], buf_v, sem).wait()
        pltpu.sync_copy(buf_v, y2_hbm.at[pl.ds(S + tbase, YC)])

    return sc_dispatch, sc_gather_y


def _gmm_body(be_ref, x_ref, wgu_ref, wd_ref, y_ref):
    @pl.when(pl.program_id(0) < be_ref[NBE - 1])
    def _():
        xb = x_ref[...]
        g = jnp.dot(xb, wgu_ref[0], preferred_element_type=jnp.float32)
        a, b = g[:, :FF], g[:, FF:]
        h = (a * (1.0 / (1.0 + jnp.exp(-a)))) * b
        y_ref[...] = jnp.dot(h, wd_ref[0],
                             preferred_element_type=jnp.float32)


def _gmm(be, xs, w_gate_up, w_down):
    return pl.pallas_call(
        _gmm_body,
        grid_spec=pltpu.PrefetchScalarGridSpec(
            num_scalar_prefetch=1,
            grid=(NB,),
            in_specs=[
                pl.BlockSpec(
                    (TM, D),
                    lambda b, be: (jnp.minimum(b, be[NBE - 1] - 1), 0)),
                pl.BlockSpec((1, D, 2 * FF), lambda b, be: (be[b], 0, 0)),
                pl.BlockSpec((1, FF, D), lambda b, be: (be[b], 0, 0)),
            ],
            out_specs=pl.BlockSpec(
                (TM, D),
                lambda b, be: (jnp.minimum(b, be[NBE - 1] - 1), 0)),
        ),
        out_shape=jax.ShapeDtypeStruct((NPR, D), jnp.float32),
    )(be, xs, w_gate_up, w_down)


CB = 256


def _shared_body(x_ref, wgu_ref, wd_ref, o_ref):
    g = jnp.dot(x_ref[...], wgu_ref[...], preferred_element_type=jnp.float32,
                precision=lax.Precision.DEFAULT)
    a, b = g[:, :FF], g[:, FF:]
    h = (a * (1.0 / (1.0 + jnp.exp(-a)))) * b
    o_ref[...] = jnp.dot(h, wd_ref[...], preferred_element_type=jnp.float32,
                         precision=lax.Precision.DEFAULT)


def _shared_mlp(x, wgu_sh, wd_sh):
    nblk = S // CB
    return pl.pallas_call(
        _shared_body,
        grid=(nblk,),
        in_specs=[
            pl.BlockSpec((CB, D), lambda i: (i, 0)),
            pl.BlockSpec((D, 2 * FF), lambda i: (0, 0)),
            pl.BlockSpec((FF, D), lambda i: (0, 0)),
        ],
        out_specs=pl.BlockSpec((CB, D), lambda i: (i, 0)),
        out_shape=jax.ShapeDtypeStruct((S, D), jnp.float32),
    )(x, wgu_sh, wd_sh)


def _combine_body(sh_ref, ya_ref, yb_ref, w1_ref, w2_ref, o_ref):
    o_ref[...] = (sh_ref[...] + w1_ref[...] * ya_ref[...]
                  + w2_ref[...] * yb_ref[...])


def _combine(sh, y2, w1, w2):
    nblk = S // CB
    return pl.pallas_call(
        _combine_body,
        grid=(nblk,),
        in_specs=[
            pl.BlockSpec((CB, D), lambda i: (i, 0)),
            pl.BlockSpec((CB, D), lambda i: (i, 0)),
            pl.BlockSpec((CB, D), lambda i: (i + nblk, 0)),
            pl.BlockSpec((CB, 1), lambda i: (i, 0)),
            pl.BlockSpec((CB, 1), lambda i: (i, 0)),
        ],
        out_specs=pl.BlockSpec((CB, D), lambda i: (i, 0)),
        out_shape=jax.ShapeDtypeStruct((S, D), jnp.float32),
    )(sh, y2, y2, w1, w2)


def kernel(hidden_states, w_gate, w_gate_up, w_down, w_gate_up_shared,
           w_down_shared):
    x = hidden_states.reshape(S, D)
    d1r, d2r, w1, w2, be = _router(x, w_gate)
    sc_dispatch, sc_gather_y = _sc_kernels()
    xs = sc_dispatch(x, d1r, d2r)
    sh = _shared_mlp(x, w_gate_up_shared, w_down_shared)
    ys = _gmm(be.reshape(NBE), xs, w_gate_up, w_down)
    y2 = sc_gather_y(ys, d1r, d2r)
    out = _combine(sh, y2, w1, w2)
    return out.reshape(hidden_states.shape)

# --- scband reference (transcript-rebuilt; emitter-appended) ---
"""Pipeline reference for scband-hunyuan-sparse-moe-block-53309134078388 (READ-ONLY COPY).

The authoritative reference and input builder live on the scoring server;
editing this copy changes nothing except your own understanding.
"""

import jax, jax.numpy as jnp
import numpy as np

B, S, D = 1, 2048, 1024
E, FF, TOPK = 8, 1024, 2


def silu_and_mul(x):
    d = x.shape[-1] // 2
    return jax.nn.silu(x[..., :d]) * x[..., d:]


def setup_inputs(seed: int = 0) -> dict:
    key = jax.random.key(seed)
    ks = jax.random.split(key, 6)
    hidden_states = jax.random.normal(ks[0], (B, S, D), dtype=jnp.float32)
    w_gate = jax.random.normal(ks[1], (D, E), dtype=jnp.float32) * 0.02
    w_gate_up = jax.random.normal(ks[2], (E, D, 2 * FF), dtype=jnp.float32) * 0.02
    w_down = jax.random.normal(ks[3], (E, FF, D), dtype=jnp.float32) * 0.02
    w_gate_up_shared = jax.random.normal(ks[4], (D, 2 * FF), dtype=jnp.float32) * 0.02
    w_down_shared = jax.random.normal(ks[5], (FF, D), dtype=jnp.float32) * 0.02
    return {
        'hidden_states': hidden_states,
        'w_gate': w_gate,
        'w_gate_up': w_gate_up,
        'w_down': w_down,
        'w_gate_up_shared': w_gate_up_shared,
        'w_down_shared': w_down_shared,
    }


def reference(hidden_states, w_gate, w_gate_up, w_down, w_gate_up_shared, w_down_shared):
    orig_shape = hidden_states.shape
    d = orig_shape[-1]
    x = hidden_states.reshape(-1, d)
    n_experts = w_gate_up.shape[0]
    # router (ReplicatedLinear gate, no bias)
    router_logits = x @ w_gate
    probs = jax.nn.softmax(router_logits, axis=-1)
    topw, topi = jax.lax.top_k(probs, TOPK)
    # renormalize (top_k > 1)
    topw = topw / jnp.sum(topw, axis=-1, keepdims=True)
    out = jnp.zeros_like(x)
    for e in range(n_experts):
        h = silu_and_mul(x @ w_gate_up[e])
        oe = h @ w_down[e]
        we = jnp.sum(jnp.where(topi == e, topw, jnp.zeros_like(topw)), axis=-1, keepdims=True)
        out = out + oe * we
    # shared expert MLP (reduce_results=False in-layer; summed with routed output)
    shared = silu_and_mul(x @ w_gate_up_shared) @ w_down_shared
    final = out + shared
    return final.reshape(orig_shape)

if __name__ == "__main__":
    import jax
    _d = setup_inputs()
    print(jax.jit(kernel)(*tuple(_d.values())))

</pallas_src>

<mosaic_0001>
#map = affine_map<(d0, d1) -> (0, 0)>
#map1 = affine_map<(d0, d1) -> (0)>
module attributes {stable_mosaic.version = 14 : i64} {
  func.func @sc_gather_y(%arg0: i32, %arg1: i32, %arg2: memref<6144x1024xf32, #tpu.memory_space<hbm>>, %arg3: memref<2048xi32, #tpu.memory_space<hbm>>, %arg4: memref<2048xi32, #tpu.memory_space<hbm>>, %arg5: memref<4096x1024xf32, #tpu.memory_space<hbm>>, %arg6: memref<64xi32, #tpu.memory_space<vmem>>, %arg7: memref<64x1024xf32, #tpu.memory_space<vmem>>, %arg8: memref<!tpu.dma_semaphore, #tpu.memory_space<semaphore_mem>>) attributes {dimension_semantics = [#tpu.dimension_semantics<core_parallel>, #tpu.dimension_semantics<subcore_parallel>], iteration_bounds = array<i64: 2, 16>, scalar_prefetch = 0 : i64, scratch_operands = 3 : i64, tpu.core_type = #tpu.core_type<sc_vector_subcore>, window_params = [{transform_indices = #map}, {transform_indices = #map1}, {transform_indices = #map1}, {transform_indices = #map}]} {
    %mul3A = arith.constant 2 : i32
    %mul3A_0 = arith.muli %arg1, %mul3A : i32
    %add3A = arith.addi %mul3A_0, %arg0 : i32
    %mul3A_1 = arith.constant 64 : i32
    %mul3A_2 = arith.muli %add3A, %mul3A_1 : i32
    "tpu.region"() ({
      %run_scoped3A = tpu.sem_alloc : memref<!tpu.dma_semaphore, #tpu.memory_space<semaphore_mem>>
      %dma_start3A_15 = tpu.memref_slice %arg3[%mul3A_2] : memref<2048xi32, #tpu.memory_space<hbm>> -> memref<64xi32, #tpu.memory_space<hbm>>
      %dma_start3A_16 = tpu.memref_slice %arg3[%mul3A_2] : memref<2048xi32, #tpu.memory_space<hbm>> -> memref<64xi32, #tpu.memory_space<hbm>>
      tpu.enqueue_dma source(%dma_start3A_16 : memref<64xi32, #tpu.memory_space<hbm>>) target(%arg6 : memref<64xi32, #tpu.memory_space<vmem>>) target_semaphore(%run_scoped3A : memref<!tpu.dma_semaphore, #tpu.memory_space<semaphore_mem>>)
      %dma_wait3A_17 = tpu.memref_slice %arg3[%mul3A_2] : memref<2048xi32, #tpu.memory_space<hbm>> -> memref<64xi32, #tpu.memory_space<hbm>>
      %dma_wait3A_18 = tpu.memref_slice %arg3[%mul3A_2] : memref<2048xi32, #tpu.memory_space<hbm>> -> memref<64xi32, #tpu.memory_space<hbm>>
      tpu.wait_dma2 semaphore(%run_scoped3A : memref<!tpu.dma_semaphore, #tpu.memory_space<semaphore_mem>>) src(%dma_wait3A_18 : memref<64xi32, #tpu.memory_space<hbm>>) dst(%arg6 : memref<64xi32, #tpu.memory_space<vmem>>)
      tpu.yield
    }) : () -> ()
    %dma_start3A = arith.constant 0 : i32
    %dma_start3A_3 = arith.constant 0 : i32
    %dma_start3A_4 = tpu.memref_slice %arg2[%dma_start3A, %dma_start3A_3] : memref<6144x1024xf32, #tpu.memory_space<hbm>> -> memref<6144x1024xf32, #tpu.memory_space<hbm>>
    tpu.enqueue_indirect_dma source(%dma_start3A_4 : memref<6144x1024xf32, #tpu.memory_space<hbm>>) target(%arg7 : memref<64x1024xf32, #tpu.memory_space<vmem>>) offsets(%arg6 : memref<64xi32, #tpu.memory_space<vmem>>) semaphore(%arg8 : memref<!tpu.dma_semaphore, #tpu.memory_space<semaphore_mem>>)
    %dma_wait3A = arith.constant 0 : i32
    %dma_wait3A_5 = arith.constant 0 : i32
    %dma_wait3A_6 = tpu.memref_slice %arg2[%dma_wait3A, %dma_wait3A_5] : memref<6144x1024xf32, #tpu.memory_space<hbm>> -> memref<6144x1024xf32, #tpu.memory_space<hbm>>
    tpu.wait_indirect_dma semaphore(%arg8 : memref<!tpu.dma_semaphore, #tpu.memory_space<semaphore_mem>>) src(%dma_wait3A_6 : memref<6144x1024xf32, #tpu.memory_space<hbm>>) dst(%arg7 : memref<64x1024xf32, #tpu.memory_space<vmem>>)
    "tpu.region"() ({
      %run_scoped3A = tpu.sem_alloc : memref<!tpu.dma_semaphore, #tpu.memory_space<semaphore_mem>>
      %dma_start3A_15 = arith.constant 0 : i32
      %dma_start3A_16 = tpu.memref_slice %arg5[%mul3A_2, %dma_start3A_15] : memref<4096x1024xf32, #tpu.memory_space<hbm>> -> memref<64x1024xf32, #tpu.memory_space<hbm>>
      %dma_start3A_17 = arith.constant 0 : i32
      %dma_start3A_18 = tpu.memref_slice %arg5[%mul3A_2, %dma_start3A_17] : memref<4096x1024xf32, #tpu.memory_space<hbm>> -> memref<64x1024xf32, #tpu.memory_space<hbm>>
      tpu.enqueue_dma source(%arg7 : memref<64x1024xf32, #tpu.memory_space<vmem>>) target(%dma_start3A_18 : memref<64x1024xf32, #tpu.memory_space<hbm>>) target_semaphore(%run_scoped3A : memref<!tpu.dma_semaphore, #tpu.memory_space<semaphore_mem>>)
      %dma_wait3A_19 = arith.constant 0 : i32
      %dma_wait3A_20 = tpu.memref_slice %arg5[%mul3A_2, %dma_wait3A_19] : memref<4096x1024xf32, #tpu.memory_space<hbm>> -> memref<64x1024xf32, #tpu.memory_space<hbm>>
      %dma_wait3A_21 = arith.constant 0 : i32
      %dma_wait3A_22 = tpu.memref_slice %arg5[%mul3A_2, %dma_wait3A_21] : memref<4096x1024xf32, #tpu.memory_space<hbm>> -> memref<64x1024xf32, #tpu.memory_space<hbm>>
      tpu.wait_dma2 semaphore(%run_scoped3A : memref<!tpu.dma_semaphore, #tpu.memory_space<semaphore_mem>>) src(%arg7 : memref<64x1024xf32, #tpu.memory_space<vmem>>) dst(%dma_wait3A_22 : memref<64x1024xf32, #tpu.memory_space<hbm>>)
      tpu.yield
    }) : () -> ()
    "tpu.region"() ({
      %run_scoped3A = tpu.sem_alloc : memref<!tpu.dma_semaphore, #tpu.memory_space<semaphore_mem>>
      %dma_start3A_15 = tpu.memref_slice %arg4[%mul3A_2] : memref<2048xi32, #tpu.memory_space<hbm>> -> memref<64xi32, #tpu.memory_space<hbm>>
      %dma_start3A_16 = tpu.memref_slice %arg4[%mul3A_2] : memref<2048xi32, #tpu.memory_space<hbm>> -> memref<64xi32, #tpu.memory_space<hbm>>
      tpu.enqueue_dma source(%dma_start3A_16 : memref<64xi32, #tpu.memory_space<hbm>>) target(%arg6 : memref<64xi32, #tpu.memory_space<vmem>>) target_semaphore(%run_scoped3A : memref<!tpu.dma_semaphore, #tpu.memory_space<semaphore_mem>>)
      %dma_wait3A_17 = tpu.memref_slice %arg4[%mul3A_2] : memref<2048xi32, #tpu.memory_space<hbm>> -> memref<64xi32, #tpu.memory_space<hbm>>
      %dma_wait3A_18 = tpu.memref_slice %arg4[%mul3A_2] : memref<2048xi32, #tpu.memory_space<hbm>> -> memref<64xi32, #tpu.memory_space<hbm>>
      tpu.wait_dma2 semaphore(%run_scoped3A : memref<!tpu.dma_semaphore, #tpu.memory_space<semaphore_mem>>) src(%dma_wait3A_18 : memref<64xi32, #tpu.memory_space<hbm>>) dst(%arg6 : memref<64xi32, #tpu.memory_space<vmem>>)
      tpu.yield
    }) : () -> ()
    %dma_start3A_7 = arith.constant 0 : i32
    %dma_start3A_8 = arith.constant 0 : i32
    %dma_start3A_9 = tpu.memref_slice %arg2[%dma_start3A_7, %dma_start3A_8] : memref<6144x1024xf32, #tpu.memory_space<hbm>> -> memref<6144x1024xf32, #tpu.memory_space<hbm>>
    tpu.enqueue_indirect_dma source(%dma_start3A_9 : memref<6144x1024xf32, #tpu.memory_space<hbm>>) target(%arg7 : memref<64x1024xf32, #tpu.memory_space<vmem>>) offsets(%arg6 : memref<64xi32, #tpu.memory_space<vmem>>) semaphore(%arg8 : memref<!tpu.dma_semaphore, #tpu.memory_space<semaphore_mem>>)
    %dma_wait3A_10 = arith.constant 0 : i32
    %dma_wait3A_11 = arith.constant 0 : i32
    %dma_wait3A_12 = tpu.memref_slice %arg2[%dma_wait3A_10, %dma_wait3A_11] : memref<6144x1024xf32, #tpu.memory_space<hbm>> -> memref<6144x1024xf32, #tpu.memory_space<hbm>>
    tpu.wait_indirect_dma semaphore(%arg8 : memref<!tpu.dma_semaphore, #tpu.memory_space<semaphore_mem>>) src(%dma_wait3A_12 : memref<6144x1024xf32, #tpu.memory_space<hbm>>) dst(%arg7 : memref<64x1024xf32, #tpu.memory_space<vmem>>)
    %add3A_13 = arith.constant 2048 : i32
    %add3A_14 = arith.addi %add3A_13, %mul3A_2 : i32
    "tpu.region"() ({
      %run_scoped3A = tpu.sem_alloc : memref<!tpu.dma_semaphore, #tpu.memory_space<semaphore_mem>>
      %dma_start3A_15 = arith.constant 0 : i32
      %dma_start3A_16 = tpu.memref_slice %arg5[%add3A_14, %dma_start3A_15] : memref<4096x1024xf32, #tpu.memory_space<hbm>> -> memref<64x1024xf32, #tpu.memory_space<hbm>>
      %dma_start3A_17 = arith.constant 0 : i32
      %dma_start3A_18 = tpu.memref_slice %arg5[%add3A_14, %dma_start3A_17] : memref<4096x1024xf32, #tpu.memory_space<hbm>> -> memref<64x1024xf32, #tpu.memory_space<hbm>>
      tpu.enqueue_dma source(%arg7 : memref<64x1024xf32, #tpu.memory_space<vmem>>) target(%dma_start3A_18 : memref<64x1024xf32, #tpu.memory_space<hbm>>) target_semaphore(%run_scoped3A : memref<!tpu.dma_semaphore, #tpu.memory_space<semaphore_mem>>)
      %dma_wait3A_19 = arith.constant 0 : i32
      %dma_wait3A_20 = tpu.memref_slice %arg5[%add3A_14, %dma_wait3A_19] : memref<4096x1024xf32, #tpu.memory_space<hbm>> -> memref<64x1024xf32, #tpu.memory_space<hbm>>
      %dma_wait3A_21 = arith.constant 0 : i32
      %dma_wait3A_22 = tpu.memref_slice %arg5[%add3A_14, %dma_wait3A_21] : memref<4096x1024xf32, #tpu.memory_space<hbm>> -> memref<64x1024xf32, #tpu.memory_space<hbm>>
      tpu.wait_dma2 semaphore(%run_scoped3A : memref<!tpu.dma_semaphore, #tpu.memory_space<semaphore_mem>>) src(%arg7 : memref<64x1024xf32, #tpu.memory_space<vmem>>) dst(%dma_wait3A_22 : memref<64x1024xf32, #tpu.memory_space<hbm>>)
      tpu.yield
    }) : () -> ()
    return
  }
}

#map = affine_map<(d0, d1) -> (0, 0)>
#map1 = affine_map<(d0, d1) -> (0)>
module attributes {stable_mosaic.version = 14 : i64} {
  func.func @sc_dispatch(%arg0: i32, %arg1: i32, %arg2: memref<2048x1024xf32, #tpu.memory_space<hbm>>, %arg3: memref<2048xi32, #tpu.memory_space<hbm>>, %arg4: memref<2048xi32, #tpu.memory_space<hbm>>, %arg5: memref<6144x1024xf32, #tpu.memory_space<hbm>>, %arg6: memref<64xi32, #tpu.memory_space<vmem>>, %arg7: memref<64xi32, #tpu.memory_space<vmem>>, %arg8: memref<64x1024xf32, #tpu.memory_space<vmem>>, %arg9: memref<!tpu.dma_semaphore, #tpu.memory_space<semaphore_mem>>) attributes {dimension_semantics = [#tpu.dimension_semantics<core_parallel>, #tpu.dimension_semantics<subcore_parallel>], iteration_bounds = array<i64: 2, 16>, scalar_prefetch = 0 : i64, scratch_operands = 4 : i64, tpu.core_type = #tpu.core_type<sc_vector_subcore>, window_params = [{transform_indices = #map}, {transform_indices = #map1}, {transform_indices = #map1}, {transform_indices = #map}]} {
    %mul3A = arith.constant 2 : i32
    %mul3A_0 = arith.muli %arg1, %mul3A : i32
    %add3A = arith.addi %mul3A_0, %arg0 : i32
    %mul3A_1 = arith.constant 64 : i32
    %mul3A_2 = arith.muli %add3A, %mul3A_1 : i32
    "tpu.region"() ({
      %run_scoped3A = tpu.sem_alloc : memref<!tpu.dma_semaphore, #tpu.memory_space<semaphore_mem>>
      %dma_start3A_13 = tpu.memref_slice %arg3[%mul3A_2] : memref<2048xi32, #tpu.memory_space<hbm>> -> memref<64xi32, #tpu.memory_space<hbm>>
      %dma_start3A_14 = tpu.memref_slice %arg3[%mul3A_2] : memref<2048xi32, #tpu.memory_space<hbm>> -> memref<64xi32, #tpu.memory_space<hbm>>
      tpu.enqueue_dma source(%dma_start3A_14 : memref<64xi32, #tpu.memory_space<hbm>>) target(%arg6 : memref<64xi32, #tpu.memory_space<vmem>>) target_semaphore(%run_scoped3A : memref<!tpu.dma_semaphore, #tpu.memory_space<semaphore_mem>>)
      %dma_wait3A_15 = tpu.memref_slice %arg3[%mul3A_2] : memref<2048xi32, #tpu.memory_space<hbm>> -> memref<64xi32, #tpu.memory_space<hbm>>
      %dma_wait3A_16 = tpu.memref_slice %arg3[%mul3A_2] : memref<2048xi32, #tpu.memory_space<hbm>> -> memref<64xi32, #tpu.memory_space<hbm>>
      tpu.wait_dma2 semaphore(%run_scoped3A : memref<!tpu.dma_semaphore, #tpu.memory_space<semaphore_mem>>) src(%dma_wait3A_16 : memref<64xi32, #tpu.memory_space<hbm>>) dst(%arg6 : memref<64xi32, #tpu.memory_space<vmem>>)
      tpu.yield
    }) : () -> ()
    "tpu.region"() ({
      %run_scoped3A = tpu.sem_alloc : memref<!tpu.dma_semaphore, #tpu.memory_space<semaphore_mem>>
      %dma_start3A_13 = tpu.memref_slice %arg4[%mul3A_2] : memref<2048xi32, #tpu.memory_space<hbm>> -> memref<64xi32, #tpu.memory_space<hbm>>
      %dma_start3A_14 = tpu.memref_slice %arg4[%mul3A_2] : memref<2048xi32, #tpu.memory_space<hbm>> -> memref<64xi32, #tpu.memory_space<hbm>>
      tpu.enqueue_dma source(%dma_start3A_14 : memref<64xi32, #tpu.memory_space<hbm>>) target(%arg7 : memref<64xi32, #tpu.memory_space<vmem>>) target_semaphore(%run_scoped3A : memref<!tpu.dma_semaphore, #tpu.memory_space<semaphore_mem>>)
      %dma_wait3A_15 = tpu.memref_slice %arg4[%mul3A_2] : memref<2048xi32, #tpu.memory_space<hbm>> -> memref<64xi32, #tpu.memory_space<hbm>>
      %dma_wait3A_16 = tpu.memref_slice %arg4[%mul3A_2] : memref<2048xi32, #tpu.memory_space<hbm>> -> memref<64xi32, #tpu.memory_space<hbm>>
      tpu.wait_dma2 semaphore(%run_scoped3A : memref<!tpu.dma_semaphore, #tpu.memory_space<semaphore_mem>>) src(%dma_wait3A_16 : memref<64xi32, #tpu.memory_space<hbm>>) dst(%arg7 : memref<64xi32, #tpu.memory_space<vmem>>)
      tpu.yield
    }) : () -> ()
    "tpu.region"() ({
      %run_scoped3A = tpu.sem_alloc : memref<!tpu.dma_semaphore, #tpu.memory_space<semaphore_mem>>
      %dma_start3A_13 = arith.constant 0 : i32
      %dma_start3A_14 = tpu.memref_slice %arg2[%mul3A_2, %dma_start3A_13] : memref<2048x1024xf32, #tpu.memory_space<hbm>> -> memref<64x1024xf32, #tpu.memory_space<hbm>>
      %dma_start3A_15 = arith.constant 0 : i32
      %dma_start3A_16 = tpu.memref_slice %arg2[%mul3A_2, %dma_start3A_15] : memref<2048x1024xf32, #tpu.memory_space<hbm>> -> memref<64x1024xf32, #tpu.memory_space<hbm>>
      tpu.enqueue_dma source(%dma_start3A_16 : memref<64x1024xf32, #tpu.memory_space<hbm>>) target(%arg8 : memref<64x1024xf32, #tpu.memory_space<vmem>>) target_semaphore(%run_scoped3A : memref<!tpu.dma_semaphore, #tpu.memory_space<semaphore_mem>>)
      %dma_wait3A_17 = arith.constant 0 : i32
      %dma_wait3A_18 = tpu.memref_slice %arg2[%mul3A_2, %dma_wait3A_17] : memref<2048x1024xf32, #tpu.memory_space<hbm>> -> memref<64x1024xf32, #tpu.memory_space<hbm>>
      %dma_wait3A_19 = arith.constant 0 : i32
      %dma_wait3A_20 = tpu.memref_slice %arg2[%mul3A_2, %dma_wait3A_19] : memref<2048x1024xf32, #tpu.memory_space<hbm>> -> memref<64x1024xf32, #tpu.memory_space<hbm>>
      tpu.wait_dma2 semaphore(%run_scoped3A : memref<!tpu.dma_semaphore, #tpu.memory_space<semaphore_mem>>) src(%dma_wait3A_20 : memref<64x1024xf32, #tpu.memory_space<hbm>>) dst(%arg8 : memref<64x1024xf32, #tpu.memory_space<vmem>>)
      tpu.yield
    }) : () -> ()
    %dma_start3A = arith.constant 0 : i32
    %dma_start3A_3 = arith.constant 0 : i32
    %dma_start3A_4 = tpu.memref_slice %arg5[%dma_start3A, %dma_start3A_3] : memref<6144x1024xf32, #tpu.memory_space<hbm>> -> memref<6144x1024xf32, #tpu.memory_space<hbm>>
    tpu.enqueue_indirect_dma source(%arg8 : memref<64x1024xf32, #tpu.memory_space<vmem>>) target(%dma_start3A_4 : memref<6144x1024xf32, #tpu.memory_space<hbm>>) offsets(%arg6 : memref<64xi32, #tpu.memory_space<vmem>>) semaphore(%arg9 : memref<!tpu.dma_semaphore, #tpu.memory_space<semaphore_mem>>)
    %dma_start3A_5 = arith.constant 0 : i32
    %dma_start3A_6 = arith.constant 0 : i32
    %dma_start3A_7 = tpu.memref_slice %arg5[%dma_start3A_5, %dma_start3A_6] : memref<6144x1024xf32, #tpu.memory_space<hbm>> -> memref<6144x1024xf32, #tpu.memory_space<hbm>>
    tpu.enqueue_indirect_dma source(%arg8 : memref<64x1024xf32, #tpu.memory_space<vmem>>) target(%dma_start3A_7 : memref<6144x1024xf32, #tpu.memory_space<hbm>>) offsets(%arg7 : memref<64xi32, #tpu.memory_space<vmem>>) semaphore(%arg9 : memref<!tpu.dma_semaphore, #tpu.memory_space<semaphore_mem>>)
    %dma_wait3A = arith.constant 0 : i32
    %dma_wait3A_8 = arith.constant 0 : i32
    %dma_wait3A_9 = tpu.memref_slice %arg5[%dma_wait3A, %dma_wait3A_8] : memref<6144x1024xf32, #tpu.memory_space<hbm>> -> memref<6144x1024xf32, #tpu.memory_space<hbm>>
    tpu.wait_indirect_dma semaphore(%arg9 : memref<!tpu.dma_semaphore, #tpu.memory_space<semaphore_mem>>) src(%arg8 : memref<64x1024xf32, #tpu.memory_space<vmem>>) dst(%dma_wait3A_9 : memref<6144x1024xf32, #tpu.memory_space<hbm>>)
    %dma_wait3A_10 = arith.constant 0 : i32
    %dma_wait3A_11 = arith.constant 0 : i32
    %dma_wait3A_12 = tpu.memref_slice %arg5[%dma_wait3A_10, %dma_wait3A_11] : memref<6144x1024xf32, #tpu.memory_space<hbm>> -> memref<6144x1024xf32, #tpu.memory_space<hbm>>
    tpu.wait_indirect_dma semaphore(%arg9 : memref<!tpu.dma_semaphore, #tpu.memory_space<semaphore_mem>>) src(%arg8 : memref<64x1024xf32, #tpu.memory_space<vmem>>) dst(%dma_wait3A_12 : memref<6144x1024xf32, #tpu.memory_space<hbm>>)
    return
  }
}

module attributes {stable_mosaic.version = 14 : i64} {
  func.func @_shared_body(%arg0: i32, %arg1: memref<256x1024xf32, #tpu.memory_space<vmem>>, %arg2: memref<1024x2048xf32, #tpu.memory_space<vmem>>, %arg3: memref<1024x1024xf32, #tpu.memory_space<vmem>>, %arg4: memref<256x1024xf32, #tpu.memory_space<vmem>>) attributes {dimension_semantics = [#tpu.dimension_semantics<arbitrary>], iteration_bounds = array<i64: 8>, scalar_prefetch = 0 : i64, scratch_operands = 0 : i64, tpu.core_type = #tpu.core_type<tc>, window_params = [{transform_indices = @transform_0, window_bounds = array<i64: 256, 1024>}, {pipeline_mode = #tpu.pipeline_mode<synchronous>, transform_indices = @transform_1, window_bounds = array<i64: 1024, 2048>}, {pipeline_mode = #tpu.pipeline_mode<synchronous>, transform_indices = @transform_2, window_bounds = array<i64: 1024, 1024>}, {transform_indices = @transform_3, window_bounds = array<i64: 256, 1024>}]} {
    %get3A = arith.constant 0 : index
    %get3A_0 = arith.constant 0 : index
    %get3A_1 = vector.load %arg1[%get3A, %get3A_0] : memref<256x1024xf32, #tpu.memory_space<vmem>>, vector<256x1024xf32>
    %get3A_2 = arith.constant 0 : index
    %get3A_3 = arith.constant 0 : index
    %get3A_4 = vector.load %arg2[%get3A_2, %get3A_3] : memref<1024x2048xf32, #tpu.memory_space<vmem>>, vector<1024x2048xf32>
    %dot_general3A = arith.constant dense<0.000000e+00> : vector<256x2048xf32>
    %dot_general3A_5 = tpu.matmul %get3A_1, %get3A_4, %dot_general3A {dimension_numbers = #tpu.dot_dimension_numbers<[1], [0], [0], [1], [0, 0, 1, 1], [], []>, transpose_lhs_hint = false} : vector<256x1024xf32>, vector<1024x2048xf32>, vector<256x2048xf32> -> vector<256x2048xf32>
    %slice3A = vector.extract_strided_slice %dot_general3A_5 {offsets = [0, 0], sizes = [256, 1024], strides = [1, 1]} : vector<256x2048xf32> to vector<256x1024xf32>
    %slice3A_6 = vector.extract_strided_slice %dot_general3A_5 {offsets = [0, 1024], sizes = [256, 1024], strides = [1, 1]} : vector<256x2048xf32> to vector<256x1024xf32>
    %neg3A = arith.constant 0.000000e+00 : f32
    %neg3A_7 = vector.broadcast %neg3A : f32 to vector<256x1024xf32>
    %neg3A_8 = arith.subf %neg3A_7, %slice3A : vector<256x1024xf32>
    %exp3A = math.exp %neg3A_8 : vector<256x1024xf32>
    %add3A = arith.constant 1.000000e+00 : f32
    %add3A_9 = vector.broadcast %add3A : f32 to vector<256x1024xf32>
    %add3A_10 = arith.addf %add3A_9, %exp3A : vector<256x1024xf32>
    %div3A = arith.constant 1.000000e+00 : f32
    %div3A_11 = vector.broadcast %div3A : f32 to vector<256x1024xf32>
    %div3A_12 = arith.divf %div3A_11, %add3A_10 : vector<256x1024xf32>
    %mul3A = arith.mulf %slice3A, %div3A_12 : vector<256x1024xf32>
    %mul3A_13 = arith.mulf %mul3A, %slice3A_6 : vector<256x1024xf32>
    %get3A_14 = arith.constant 0 : index
    %get3A_15 = arith.constant 0 : index
    %get3A_16 = vector.load %arg3[%get3A_14, %get3A_15] : memref<1024x1024xf32, #tpu.memory_space<vmem>>, vector<1024x1024xf32>
    %dot_general3A_17 = arith.constant dense<0.000000e+00> : vector<256x1024xf32>
    %dot_general3A_18 = tpu.matmul %mul3A_13, %get3A_16, %dot_general3A_17 {dimension_numbers = #tpu.dot_dimension_numbers<[1], [0], [0], [1], [0, 0, 1, 1], [], []>, transpose_lhs_hint = false} : vector<256x1024xf32>, vector<1024x1024xf32>, vector<256x1024xf32> -> vector<256x1024xf32>
    %swap3A = arith.constant 0 : index
    %swap3A_19 = arith.constant 0 : index
    %swap3A_20 = vector.load %arg4[%swap3A, %swap3A_19] : memref<256x1024xf32, #tpu.memory_space<vmem>>, vector<256x1024xf32>
    tpu.vector_store %arg4[%swap3A, %swap3A_19], %dot_general3A_18 {strides = array<i32>} : memref<256x1024xf32, #tpu.memory_space<vmem>>, vector<256x1024xf32>,
    return
  }
  func.func @transform_0(%arg0: i32) -> (i32, i32) {
    %c0_i32 = arith.constant 0 : i32
    %c0_i32_0 = arith.constant 0 : i32
    return %arg0, %c0_i32 : i32, i32
  }
  func.func @transform_1(%arg0: i32) -> (i32, i32) {
    %c0_i32 = arith.constant 0 : i32
    %c0_i32_0 = arith.constant 0 : i32
    %c0_i32_1 = arith.constant 0 : i32
    return %c0_i32, %c0_i32_0 : i32, i32
  }
  func.func @transform_2(%arg0: i32) -> (i32, i32) {
    %c0_i32 = arith.constant 0 : i32
    %c0_i32_0 = arith.constant 0 : i32
    %c0_i32_1 = arith.constant 0 : i32
    return %c0_i32, %c0_i32_0 : i32, i32
  }
  func.func @transform_3(%arg0: i32) -> (i32, i32) {
    %c0_i32 = arith.constant 0 : i32
    %c0_i32_0 = arith.constant 0 : i32
    return %arg0, %c0_i32 : i32, i32
  }
}

module attributes {stable_mosaic.version = 14 : i64} {
  func.func @_combine_body(%arg0: i32, %arg1: memref<256x1024xf32, #tpu.memory_space<vmem>>, %arg2: memref<256x1024xf32, #tpu.memory_space<vmem>>, %arg3: memref<256x1024xf32, #tpu.memory_space<vmem>>, %arg4: memref<256x1xf32, #tpu.memory_space<vmem>>, %arg5: memref<256x1xf32, #tpu.memory_space<vmem>>, %arg6: memref<256x1024xf32, #tpu.memory_space<vmem>>) attributes {dimension_semantics = [#tpu.dimension_semantics<arbitrary>], iteration_bounds = array<i64: 8>, scalar_prefetch = 0 : i64, scratch_operands = 0 : i64, tpu.core_type = #tpu.core_type<tc>, window_params = [{transform_indices = @transform_0, window_bounds = array<i64: 256, 1024>}, {transform_indices = @transform_1, window_bounds = array<i64: 256, 1024>}, {transform_indices = @transform_2, window_bounds = array<i64: 256, 1024>}, {transform_indices = @transform_3, window_bounds = array<i64: 256, 1>}, {transform_indices = @transform_4, window_bounds = array<i64: 256, 1>}, {transform_indices = @transform_5, window_bounds = array<i64: 256, 1024>}]} {
    %get3A = arith.constant 0 : index
    %get3A_0 = arith.constant 0 : index
    %get3A_1 = vector.load %arg1[%get3A, %get3A_0] : memref<256x1024xf32, #tpu.memory_space<vmem>>, vector<256x1024xf32>
    %get3A_2 = arith.constant 0 : index
    %get3A_3 = arith.constant 0 : index
    %get3A_4 = vector.load %arg4[%get3A_2, %get3A_3] : memref<256x1xf32, #tpu.memory_space<vmem>>, vector<256x1xf32>
    %get3A_5 = arith.constant 0 : index
    %get3A_6 = arith.constant 0 : index
    %get3A_7 = vector.load %arg2[%get3A_5, %get3A_6] : memref<256x1024xf32, #tpu.memory_space<vmem>>, vector<256x1024xf32>
    %mul3A = vector.broadcast %get3A_4 : vector<256x1xf32> to vector<256x1024xf32>
    %mul3A_8 = arith.mulf %mul3A, %get3A_7 : vector<256x1024xf32>
    %add3A = arith.addf %get3A_1, %mul3A_8 : vector<256x1024xf32>
    %get3A_9 = arith.constant 0 : index
    %get3A_10 = arith.constant 0 : index
    %get3A_11 = vector.load %arg5[%get3A_9, %get3A_10] : memref<256x1xf32, #tpu.memory_space<vmem>>, vector<256x1xf32>
    %get3A_12 = arith.constant 0 : index
    %get3A_13 = arith.constant 0 : index
    %get3A_14 = vector.load %arg3[%get3A_12, %get3A_13] : memref<256x1024xf32, #tpu.memory_space<vmem>>, vector<256x1024xf32>
    %mul3A_15 = vector.broadcast %get3A_11 : vector<256x1xf32> to vector<256x1024xf32>
    %mul3A_16 = arith.mulf %mul3A_15, %get3A_14 : vector<256x1024xf32>
    %add3A_17 = arith.addf %add3A, %mul3A_16 : vector<256x1024xf32>
    %swap3A = arith.constant 0 : index
    %swap3A_18 = arith.constant 0 : index
    %swap3A_19 = vector.load %arg6[%swap3A, %swap3A_18] : memref<256x1024xf32, #tpu.memory_space<vmem>>, vector<256x1024xf32>
    tpu.vector_store %arg6[%swap3A, %swap3A_18], %add3A_17 {strides = array<i32>} : memref<256x1024xf32, #tpu.memory_space<vmem>>, vector<256x1024xf32>,
    return
  }
  func.func @transform_0(%arg0: i32) -> (i32, i32) {
    %c0_i32 = arith.constant 0 : i32
    %c0_i32_0 = arith.constant 0 : i32
    return %arg0, %c0_i32 : i32, i32
  }
  func.func @transform_1(%arg0: i32) -> (i32, i32) {
    %c0_i32 = arith.constant 0 : i32
    %c0_i32_0 = arith.constant 0 : i32
    return %arg0, %c0_i32 : i32, i32
  }
  func.func @transform_2(%arg0: i32) -> (i32, i32) {
    %add3A = arith.constant 8 : i32
    %add3A_0 = arith.addi %arg0, %add3A : i32
    %c0_i32 = arith.constant 0 : i32
    %c0_i32_1 = arith.constant 0 : i32
    return %add3A_0, %c0_i32 : i32, i32
  }
  func.func @transform_3(%arg0: i32) -> (i32, i32) {
    %c0_i32 = arith.constant 0 : i32
    %c0_i32_0 = arith.constant 0 : i32
    return %arg0, %c0_i32 : i32, i32
  }
  func.func @transform_4(%arg0: i32) -> (i32, i32) {
    %c0_i32 = arith.constant 0 : i32
    %c0_i32_0 = arith.constant 0 : i32
    return %arg0, %c0_i32 : i32, i32
  }
  func.func @transform_5(%arg0: i32) -> (i32, i32) {
    %c0_i32 = arith.constant 0 : i32
    %c0_i32_0 = arith.constant 0 : i32
    return %arg0, %c0_i32 : i32, i32
  }
}

module attributes {stable_mosaic.version = 14 : i64} {
  func.func @_gmm_body(%arg0: i32, %arg1: memref<64xi32, #tpu.memory_space<smem>>, %arg2: memref<256x1024xf32, #tpu.memory_space<vmem>>, %arg3: memref<1x1024x2048xf32, #tpu.memory_space<vmem>>, %arg4: memref<1x1024x1024xf32, #tpu.memory_space<vmem>>, %arg5: memref<256x1024xf32, #tpu.memory_space<vmem>>) attributes {dimension_semantics = [#tpu.dimension_semantics<arbitrary>], iteration_bounds = array<i64: 24>, scalar_prefetch = 1 : i64, scratch_operands = 0 : i64, tpu.core_type = #tpu.core_type<tc>, window_params = [{transform_indices = @transform_0, window_bounds = array<i64: 256, 1024>}, {transform_indices = @transform_1, window_bounds = array<i64: 1, 1024, 2048>}, {transform_indices = @transform_2, window_bounds = array<i64: 1, 1024, 1024>}, {transform_indices = @transform_3, window_bounds = array<i64: 256, 1024>}]} {
    %get3A = arith.constant 63 : index
    %get3A_0 = memref.load %arg1[%get3A] : memref<64xi32, #tpu.memory_space<smem>>
    %lt3A = arith.cmpi slt, %arg0, %get3A_0 : i32
    %convert_element_type3A = arith.extui %lt3A : i1 to i32
    %cond3A = arith.constant 0 : i32
    %cond3A_1 = arith.cmpi ne, %convert_element_type3A, %cond3A : i32
    scf.if %cond3A_1 {
      %get3A_2 = arith.constant 0 : index
      %get3A_3 = arith.constant 0 : index
      %get3A_4 = vector.load %arg2[%get3A_2, %get3A_3] : memref<256x1024xf32, #tpu.memory_space<vmem>>, vector<256x1024xf32>
      %get3A_5 = arith.constant 0 : index
      %get3A_6 = arith.constant 0 : index
      %get3A_7 = arith.constant 0 : index
      %get3A_8 = vector.load %arg3[%get3A_5, %get3A_6, %get3A_7] : memref<1x1024x2048xf32, #tpu.memory_space<vmem>>, vector<1x1024x2048xf32>
      %get3A_9 = vector.shape_cast %get3A_8 : vector<1x1024x2048xf32> to vector<1024x2048xf32>
      %dot_general3A = arith.constant dense<0.000000e+00> : vector<256x2048xf32>
      %dot_general3A_10 = tpu.matmul %get3A_4, %get3A_9, %dot_general3A {dimension_numbers = #tpu.dot_dimension_numbers<[1], [0], [0], [1], [0, 0, 1, 1], [], []>, transpose_lhs_hint = false} : vector<256x1024xf32>, vector<1024x2048xf32>, vector<256x2048xf32> -> vector<256x2048xf32>
      %slice3A = vector.extract_strided_slice %dot_general3A_10 {offsets = [0, 0], sizes = [256, 1024], strides = [1, 1]} : vector<256x2048xf32> to vector<256x1024xf32>
      %slice3A_11 = vector.extract_strided_slice %dot_general3A_10 {offsets = [0, 1024], sizes = [256, 1024], strides = [1, 1]} : vector<256x2048xf32> to vector<256x1024xf32>
      %neg3A = arith.constant 0.000000e+00 : f32
      %neg3A_12 = vector.broadcast %neg3A : f32 to vector<256x1024xf32>
      %neg3A_13 = arith.subf %neg3A_12, %slice3A : vector<256x1024xf32>
      %exp3A = math.exp %neg3A_13 : vector<256x1024xf32>
      %add3A = arith.constant 1.000000e+00 : f32
      %add3A_14 = vector.broadcast %add3A : f32 to vector<256x1024xf32>
      %add3A_15 = arith.addf %add3A_14, %exp3A : vector<256x1024xf32>
      %div3A = arith.constant 1.000000e+00 : f32
      %div3A_16 = vector.broadcast %div3A : f32 to vector<256x1024xf32>
      %div3A_17 = arith.divf %div3A_16, %add3A_15 : vector<256x1024xf32>
      %mul3A = arith.mulf %slice3A, %div3A_17 : vector<256x1024xf32>
      %mul3A_18 = arith.mulf %mul3A, %slice3A_11 : vector<256x1024xf32>
      %get3A_19 = arith.constant 0 : index
      %get3A_20 = arith.constant 0 : index
      %get3A_21 = arith.constant 0 : index
      %get3A_22 = vector.load %arg4[%get3A_19, %get3A_20, %get3A_21] : memref<1x1024x1024xf32, #tpu.memory_space<vmem>>, vector<1x1024x1024xf32>
      %get3A_23 = vector.shape_cast %get3A_22 : vector<1x1024x1024xf32> to vector<1024x1024xf32>
      %dot_general3A_24 = arith.constant dense<0.000000e+00> : vector<256x1024xf32>
      %dot_general3A_25 = tpu.matmul %mul3A_18, %get3A_23, %dot_general3A_24 {dimension_numbers = #tpu.dot_dimension_numbers<[1], [0], [0], [1], [0, 0, 1, 1], [], []>, transpose_lhs_hint = false} : vector<256x1024xf32>, vector<1024x1024xf32>, vector<256x1024xf32> -> vector<256x1024xf32>
      %swap3A = arith.constant 0 : index
      %swap3A_26 = arith.constant 0 : index
      %swap3A_27 = vector.load %arg5[%swap3A, %swap3A_26] : memref<256x1024xf32, #tpu.memory_space<vmem>>, vector<256x1024xf32>
      tpu.vector_store %arg5[%swap3A, %swap3A_26], %dot_general3A_25 {strides = array<i32>} : memref<256x1024xf32, #tpu.memory_space<vmem>>, vector<256x1024xf32>,
    } else {
    }
    return
  }
  func.func @transform_0(%arg0: i32, %arg1: memref<64xi32, #tpu.memory_space<smem>>) -> (i32, i32) {
    %get3A = arith.constant 63 : index
    %get3A_0 = memref.load %arg1[%get3A] : memref<64xi32, #tpu.memory_space<smem>>
    %sub3A = arith.constant 1 : i32
    %sub3A_1 = arith.subi %get3A_0, %sub3A : i32
    %min3A = arith.minsi %arg0, %sub3A_1 : i32
    %c0_i32 = arith.constant 0 : i32
    %c0_i32_2 = arith.constant 0 : i32
    return %min3A, %c0_i32 : i32, i32
  }
  func.func @transform_1(%arg0: i32, %arg1: memref<64xi32, #tpu.memory_space<smem>>) -> (i32, i32, i32) {
    %get3A = arith.index_cast %arg0 : i32 to index
    %get3A_0 = memref.load %arg1[%get3A] : memref<64xi32, #tpu.memory_space<smem>>
    %c0_i32 = arith.constant 0 : i32
    %c0_i32_1 = arith.constant 0 : i32
    %c0_i32_2 = arith.constant 0 : i32
    return %get3A_0, %c0_i32, %c0_i32_1 : i32, i32, i32
  }
  func.func @transform_2(%arg0: i32, %arg1: memref<64xi32, #tpu.memory_space<smem>>) -> (i32, i32, i32) {
    %get3A = arith.index_cast %arg0 : i32 to index
    %get3A_0 = memref.load %arg1[%get3A] : memref<64xi32, #tpu.memory_space<smem>>
    %c0_i32 = arith.constant 0 : i32
    %c0_i32_1 = arith.constant 0 : i32
    %c0_i32_2 = arith.constant 0 : i32
    return %get3A_0, %c0_i32, %c0_i32_1 : i32, i32, i32
  }
  func.func @transform_3(%arg0: i32, %arg1: memref<64xi32, #tpu.memory_space<smem>>) -> (i32, i32) {
    %get3A = arith.constant 63 : index
    %get3A_0 = memref.load %arg1[%get3A] : memref<64xi32, #tpu.memory_space<smem>>
    %sub3A = arith.constant 1 : i32
    %sub3A_1 = arith.subi %get3A_0, %sub3A : i32
    %min3A = arith.minsi %arg0, %sub3A_1 : i32
    %c0_i32 = arith.constant 0 : i32
    %c0_i32_2 = arith.constant 0 : i32
    return %min3A, %c0_i32 : i32, i32
  }
}

module attributes {stable_mosaic.version = 14 : i64} {
  func.func @_router_body(%arg0: memref<2048x1024xf32, #tpu.memory_space<vmem>>, %arg1: memref<1024x8xf32, #tpu.memory_space<vmem>>, %arg2: memref<2048xi32, #tpu.memory_space<vmem>>, %arg3: memref<2048xi32, #tpu.memory_space<vmem>>, %arg4: memref<2048x1xf32, #tpu.memory_space<vmem>>, %arg5: memref<2048x1xf32, #tpu.memory_space<vmem>>, %arg6: memref<1x64xi32, #tpu.memory_space<vmem>>) attributes {dimension_semantics = [], scalar_prefetch = 0 : i64, scratch_operands = 0 : i64, tpu.core_type = #tpu.core_type<tc>} {
    %get3A = arith.constant 0 : index
    %get3A_0 = arith.constant 0 : index
    %get3A_1 = vector.load %arg0[%get3A, %get3A_0] : memref<2048x1024xf32, #tpu.memory_space<vmem>>, vector<2048x1024xf32>
    %get3A_2 = arith.constant 0 : index
    %get3A_3 = arith.constant 0 : index
    %get3A_4 = vector.load %arg1[%get3A_2, %get3A_3] : memref<1024x8xf32, #tpu.memory_space<vmem>>, vector<1024x8xf32>
    %dot_general3A = arith.constant dense<0.000000e+00> : vector<2048x8xf32>
    %dot_general3A_5 = tpu.matmul %get3A_1, %get3A_4, %dot_general3A {dimension_numbers = #tpu.dot_dimension_numbers<[1], [0], [0], [1], [0, 0, 1, 1], [], []>, transpose_lhs_hint = false} : vector<2048x1024xf32>, vector<1024x8xf32>, vector<2048x8xf32> -> vector<2048x8xf32>
    %iota3A = tpu.iota {dimensions = array<i32: 1>} : vector<2048x8xi32>
    %reduce_max3A = arith.constant dense<0xFF800000> : vector<2048xf32>
    %reduce_max3A_6 = vector.multi_reduction <maximumf>, %dot_general3A_5, %reduce_max3A [1] : vector<2048x8xf32> to vector<2048xf32>
    %broadcast_in_dim3A = vector.shape_cast %reduce_max3A_6 : vector<2048xf32> to vector<2048x1xf32>
    %eq3A = vector.broadcast %broadcast_in_dim3A : vector<2048x1xf32> to vector<2048x8xf32>
    %eq3A_7 = arith.cmpf oeq, %dot_general3A_5, %eq3A : vector<2048x8xf32>
    %jit3A = arith.constant 8 : i32
    %broadcast_in_dim3A_8 = vector.broadcast %jit3A : i32 to vector<2048x8xi32>
    %select_n3A = arith.select %eq3A_7, %iota3A, %broadcast_in_dim3A_8 : vector<2048x8xi1>, vector<2048x8xi32>
    %reduce_min3A = arith.constant dense<2147483647> : vector<2048xi32>
    %reduce_min3A_9 = vector.multi_reduction <minsi>, %select_n3A, %reduce_min3A [1] : vector<2048x8xi32> to vector<2048xi32>
    %broadcast_in_dim3A_10 = vector.shape_cast %reduce_min3A_9 : vector<2048xi32> to vector<2048x1xi32>
    %eq3A_11 = vector.broadcast %broadcast_in_dim3A_10 : vector<2048x1xi32> to vector<2048x8xi32>
    %eq3A_12 = arith.cmpi eq, %iota3A, %eq3A_11 : vector<2048x8xi32>
    %jit3A_13 = arith.constant 0xFF800000 : f32
    %broadcast_in_dim3A_14 = vector.broadcast %jit3A_13 : f32 to vector<2048x8xf32>
    %select_n3A_15 = arith.select %eq3A_12, %broadcast_in_dim3A_14, %dot_general3A_5 : vector<2048x8xi1>, vector<2048x8xf32>
    %reduce_max3A_16 = arith.constant dense<0xFF800000> : vector<2048xf32>
    %reduce_max3A_17 = vector.multi_reduction <maximumf>, %select_n3A_15, %reduce_max3A_16 [1] : vector<2048x8xf32> to vector<2048xf32>
    %broadcast_in_dim3A_18 = vector.shape_cast %reduce_max3A_17 : vector<2048xf32> to vector<2048x1xf32>
    %eq3A_19 = vector.broadcast %broadcast_in_dim3A_18 : vector<2048x1xf32> to vector<2048x8xf32>
    %eq3A_20 = arith.cmpf oeq, %select_n3A_15, %eq3A_19 : vector<2048x8xf32>
    %jit3A_21 = arith.constant 8 : i32
    %broadcast_in_dim3A_22 = vector.broadcast %jit3A_21 : i32 to vector<2048x8xi32>
    %select_n3A_23 = arith.select %eq3A_20, %iota3A, %broadcast_in_dim3A_22 : vector<2048x8xi1>, vector<2048x8xi32>
    %reduce_min3A_24 = arith.constant dense<2147483647> : vector<2048xi32>
    %reduce_min3A_25 = vector.multi_reduction <minsi>, %select_n3A_23, %reduce_min3A_24 [1] : vector<2048x8xi32> to vector<2048xi32>
    %broadcast_in_dim3A_26 = vector.shape_cast %reduce_min3A_25 : vector<2048xi32> to vector<2048x1xi32>
    %eq3A_27 = vector.broadcast %broadcast_in_dim3A_26 : vector<2048x1xi32> to vector<2048x8xi32>
    %eq3A_28 = arith.cmpi eq, %iota3A, %eq3A_27 : vector<2048x8xi32>
    %sub3A = arith.subf %broadcast_in_dim3A_18, %broadcast_in_dim3A : vector<2048x1xf32>
    %exp3A = math.exp %sub3A : vector<2048x1xf32>
    %add3A = arith.constant 1.000000e+00 : f32
    %add3A_29 = vector.broadcast %add3A : f32 to vector<2048x1xf32>
    %add3A_30 = arith.addf %add3A_29, %exp3A : vector<2048x1xf32>
    %div3A = arith.constant 1.000000e+00 : f32
    %div3A_31 = vector.broadcast %div3A : f32 to vector<2048x1xf32>
    %div3A_32 = arith.divf %div3A_31, %add3A_30 : vector<2048x1xf32>
    %swap3A = arith.constant 0 : index
    %swap3A_33 = arith.constant 0 : index
    %swap3A_34 = vector.load %arg4[%swap3A, %swap3A_33] : memref<2048x1xf32, #tpu.memory_space<vmem>>, vector<2048x1xf32>
    tpu.vector_store %arg4[%swap3A, %swap3A_33], %div3A_32 {strides = array<i32>} : memref<2048x1xf32, #tpu.memory_space<vmem>>, vector<2048x1xf32>,
    %sub3A_35 = arith.constant 1.000000e+00 : f32
    %sub3A_36 = vector.broadcast %sub3A_35 : f32 to vector<2048x1xf32>
    %sub3A_37 = arith.subf %sub3A_36, %div3A_32 : vector<2048x1xf32>
    %swap3A_38 = arith.constant 0 : index
    %swap3A_39 = arith.constant 0 : index
    %swap3A_40 = vector.load %arg5[%swap3A_38, %swap3A_39] : memref<2048x1xf32, #tpu.memory_space<vmem>>, vector<2048x1xf32>
    tpu.vector_store %arg5[%swap3A_38, %swap3A_39], %sub3A_37 {strides = array<i32>} : memref<2048x1xf32, #tpu.memory_space<vmem>>, vector<2048x1xf32>,
    %convert_element_type3A = arith.extui %eq3A_12 : vector<2048x8xi1> to vector<2048x8xi32>
    %convert_element_type3A_41 = arith.sitofp %convert_element_type3A : vector<2048x8xi32> to vector<2048x8xf32>
    %convert_element_type3A_42 = arith.extui %eq3A_28 : vector<2048x8xi1> to vector<2048x8xi32>
    %convert_element_type3A_43 = arith.sitofp %convert_element_type3A_42 : vector<2048x8xi32> to vector<2048x8xf32>
    %concatenate3A = tpu.concatenate %convert_element_type3A_41, %convert_element_type3A_43 in 1 : vector<2048x8xf32>, vector<2048x8xf32> -> vector<2048x16xf32>
    %iota3A_44 = tpu.iota {dimensions = array<i32: 0>} : vector<128x128xi32>
    %iota3A_45 = tpu.iota {dimensions = array<i32: 1>} : vector<128x128xi32>
    %lt3A = arith.cmpi slt, %iota3A_45, %iota3A_44 : vector<128x128xi32>
    %convert_element_type3A_46 = arith.extui %lt3A : vector<128x128xi1> to vector<128x128xi32>
    %convert_element_type3A_47 = arith.sitofp %convert_element_type3A_46 : vector<128x128xi32> to vector<128x128xf32>
    %broadcast_in_dim3A_48 = arith.constant 0.000000e+00 : f32
    %broadcast_in_dim3A_49 = vector.broadcast %broadcast_in_dim3A_48 : f32 to vector<1x16xf32>
    %slice3A = vector.extract_strided_slice %concatenate3A {offsets = [0, 0], sizes = [128, 16], strides = [1, 1]} : vector<2048x16xf32> to vector<128x16xf32>
    %dot_general3A_50 = arith.constant dense<0.000000e+00> : vector<128x16xf32>
    %dot_general3A_51 = tpu.matmul %convert_element_type3A_47, %slice3A, %dot_general3A_50 {dimension_numbers = #tpu.dot_dimension_numbers<[1], [0], [0], [1], [0, 0, 1, 1], [], []>, transpose_lhs_hint = false} : vector<128x128xf32>, vector<128x16xf32>, vector<128x16xf32> -> vector<128x16xf32>
    %add3A_52 = vector.broadcast %broadcast_in_dim3A_49 : vector<1x16xf32> to vector<128x16xf32>
    %add3A_53 = arith.addf %dot_general3A_51, %add3A_52 : vector<128x16xf32>
    %reduce_sum3A = arith.constant dense<0.000000e+00> : vector<16xf32>
    %reduce_sum3A_54 = vector.multi_reduction <add>, %slice3A, %reduce_sum3A [0] : vector<128x16xf32> to vector<16xf32>
    %broadcast_in_dim3A_55 = vector.shape_cast %reduce_sum3A_54 : vector<16xf32> to vector<1x16xf32>
    %add3A_56 = arith.addf %broadcast_in_dim3A_49, %broadcast_in_dim3A_55 : vector<1x16xf32>
    %slice3A_57 = vector.extract_strided_slice %concatenate3A {offsets = [128, 0], sizes = [128, 16], strides = [1, 1]} : vector<2048x16xf32> to vector<128x16xf32>
    %dot_general3A_58 = arith.constant dense<0.000000e+00> : vector<128x16xf32>
    %dot_general3A_59 = tpu.matmul %convert_element_type3A_47, %slice3A_57, %dot_general3A_58 {dimension_numbers = #tpu.dot_dimension_numbers<[1], [0], [0], [1], [0, 0, 1, 1], [], []>, transpose_lhs_hint = false} : vector<128x128xf32>, vector<128x16xf32>, vector<128x16xf32> -> vector<128x16xf32>
    %add3A_60 = vector.broadcast %add3A_56 : vector<1x16xf32> to vector<128x16xf32>
    %add3A_61 = arith.addf %dot_general3A_59, %add3A_60 : vector<128x16xf32>
    %reduce_sum3A_62 = arith.constant dense<0.000000e+00> : vector<16xf32>
    %reduce_sum3A_63 = vector.multi_reduction <add>, %slice3A_57, %reduce_sum3A_62 [0] : vector<128x16xf32> to vector<16xf32>
    %broadcast_in_dim3A_64 = vector.shape_cast %reduce_sum3A_63 : vector<16xf32> to vector<1x16xf32>
    %add3A_65 = arith.addf %add3A_56, %broadcast_in_dim3A_64 : vector<1x16xf32>
    %slice3A_66 = vector.extract_strided_slice %concatenate3A {offsets = [256, 0], sizes = [128, 16], strides = [1, 1]} : vector<2048x16xf32> to vector<128x16xf32>
    %dot_general3A_67 = arith.constant dense<0.000000e+00> : vector<128x16xf32>
    %dot_general3A_68 = tpu.matmul %convert_element_type3A_47, %slice3A_66, %dot_general3A_67 {dimension_numbers = #tpu.dot_dimension_numbers<[1], [0], [0], [1], [0, 0, 1, 1], [], []>, transpose_lhs_hint = false} : vector<128x128xf32>, vector<128x16xf32>, vector<128x16xf32> -> vector<128x16xf32>
    %add3A_69 = vector.broadcast %add3A_65 : vector<1x16xf32> to vector<128x16xf32>
    %add3A_70 = arith.addf %dot_general3A_68, %add3A_69 : vector<128x16xf32>
    %reduce_sum3A_71 = arith.constant dense<0.000000e+00> : vector<16xf32>
    %reduce_sum3A_72 = vector.multi_reduction <add>, %slice3A_66, %reduce_sum3A_71 [0] : vector<128x16xf32> to vector<16xf32>
    %broadcast_in_dim3A_73 = vector.shape_cast %reduce_sum3A_72 : vector<16xf32> to vector<1x16xf32>
    %add3A_74 = arith.addf %add3A_65, %broadcast_in_dim3A_73 : vector<1x16xf32>
    %slice3A_75 = vector.extract_strided_slice %concatenate3A {offsets = [384, 0], sizes = [128, 16], strides = [1, 1]} : vector<2048x16xf32> to vector<128x16xf32>
    %dot_general3A_76 = arith.constant dense<0.000000e+00> : vector<128x16xf32>
    %dot_general3A_77 = tpu.matmul %convert_element_type3A_47, %slice3A_75, %dot_general3A_76 {dimension_numbers = #tpu.dot_dimension_numbers<[1], [0], [0], [1], [0, 0, 1, 1], [], []>, transpose_lhs_hint = false} : vector<128x128xf32>, vector<128x16xf32>, vector<128x16xf32> -> vector<128x16xf32>
    %add3A_78 = vector.broadcast %add3A_74 : vector<1x16xf32> to vector<128x16xf32>
    %add3A_79 = arith.addf %dot_general3A_77, %add3A_78 : vector<128x16xf32>
    %reduce_sum3A_80 = arith.constant dense<0.000000e+00> : vector<16xf32>
    %reduce_sum3A_81 = vector.multi_reduction <add>, %slice3A_75, %reduce_sum3A_80 [0] : vector<128x16xf32> to vector<16xf32>
    %broadcast_in_dim3A_82 = vector.shape_cast %reduce_sum3A_81 : vector<16xf32> to vector<1x16xf32>
    %add3A_83 = arith.addf %add3A_74, %broadcast_in_dim3A_82 : vector<1x16xf32>
    %slice3A_84 = vector.extract_strided_slice %concatenate3A {offsets = [512, 0], sizes = [128, 16], strides = [1, 1]} : vector<2048x16xf32> to vector<128x16xf32>
    %dot_general3A_85 = arith.constant dense<0.000000e+00> : vector<128x16xf32>
    %dot_general3A_86 = tpu.matmul %convert_element_type3A_47, %slice3A_84, %dot_general3A_85 {dimension_numbers = #tpu.dot_dimension_numbers<[1], [0], [0], [1], [0, 0, 1, 1], [], []>, transpose_lhs_hint = false} : vector<128x128xf32>, vector<128x16xf32>, vector<128x16xf32> -> vector<128x16xf32>
    %add3A_87 = vector.broadcast %add3A_83 : vector<1x16xf32> to vector<128x16xf32>
    %add3A_88 = arith.addf %dot_general3A_86, %add3A_87 : vector<128x16xf32>
    %reduce_sum3A_89 = arith.constant dense<0.000000e+00> : vector<16xf32>
    %reduce_sum3A_90 = vector.multi_reduction <add>, %slice3A_84, %reduce_sum3A_89 [0] : vector<128x16xf32> to vector<16xf32>
    %broadcast_in_dim3A_91 = vector.shape_cast %reduce_sum3A_90 : vector<16xf32> to vector<1x16xf32>
    %add3A_92 = arith.addf %add3A_83, %broadcast_in_dim3A_91 : vector<1x16xf32>
    %slice3A_93 = vector.extract_strided_slice %concatenate3A {offsets = [640, 0], sizes = [128, 16], strides = [1, 1]} : vector<2048x16xf32> to vector<128x16xf32>
    %dot_general3A_94 = arith.constant dense<0.000000e+00> : vector<128x16xf32>
    %dot_general3A_95 = tpu.matmul %convert_element_type3A_47, %slice3A_93, %dot_general3A_94 {dimension_numbers = #tpu.dot_dimension_numbers<[1], [0], [0], [1], [0, 0, 1, 1], [], []>, transpose_lhs_hint = false} : vector<128x128xf32>, vector<128x16xf32>, vector<128x16xf32> -> vector<128x16xf32>
    %add3A_96 = vector.broadcast %add3A_92 : vector<1x16xf32> to vector<128x16xf32>
    %add3A_97 = arith.addf %dot_general3A_95, %add3A_96 : vector<128x16xf32>
    %reduce_sum3A_98 = arith.constant dense<0.000000e+00> : vector<16xf32>
    %reduce_sum3A_99 = vector.multi_reduction <add>, %slice3A_93, %reduce_sum3A_98 [0] : vector<128x16xf32> to vector<16xf32>
    %broadcast_in_dim3A_100 = vector.shape_cast %reduce_sum3A_99 : vector<16xf32> to vector<1x16xf32>
    %add3A_101 = arith.addf %add3A_92, %broadcast_in_dim3A_100 : vector<1x16xf32>
    %slice3A_102 = vector.extract_strided_slice %concatenate3A {offsets = [768, 0], sizes = [128, 16], strides = [1, 1]} : vector<2048x16xf32> to vector<128x16xf32>
    %dot_general3A_103 = arith.constant dense<0.000000e+00> : vector<128x16xf32>
    %dot_general3A_104 = tpu.matmul %convert_element_type3A_47, %slice3A_102, %dot_general3A_103 {dimension_numbers = #tpu.dot_dimension_numbers<[1], [0], [0], [1], [0, 0, 1, 1], [], []>, transpose_lhs_hint = false} : vector<128x128xf32>, vector<128x16xf32>, vector<128x16xf32> -> vector<128x16xf32>
    %add3A_105 = vector.broadcast %add3A_101 : vector<1x16xf32> to vector<128x16xf32>
    %add3A_106 = arith.addf %dot_general3A_104, %add3A_105 : vector<128x16xf32>
    %reduce_sum3A_107 = arith.constant dense<0.000000e+00> : vector<16xf32>
    %reduce_sum3A_108 = vector.multi_reduction <add>, %slice3A_102, %reduce_sum3A_107 [0] : vector<128x16xf32> to vector<16xf32>
    %broadcast_in_dim3A_109 = vector.shape_cast %reduce_sum3A_108 : vector<16xf32> to vector<1x16xf32>
    %add3A_110 = arith.addf %add3A_101, %broadcast_in_dim3A_109 : vector<1x16xf32>
    %slice3A_111 = vector.extract_strided_slice %concatenate3A {offsets = [896, 0], sizes = [128, 16], strides = [1, 1]} : vector<2048x16xf32> to vector<128x16xf32>
    %dot_general3A_112 = arith.constant dense<0.000000e+00> : vector<128x16xf32>
    %dot_general3A_113 = tpu.matmul %convert_element_type3A_47, %slice3A_111, %dot_general3A_112 {dimension_numbers = #tpu.dot_dimension_numbers<[1], [0], [0], [1], [0, 0, 1, 1], [], []>, transpose_lhs_hint = false} : vector<128x128xf32>, vector<128x16xf32>, vector<128x16xf32> -> vector<128x16xf32>
    %add3A_114 = vector.broadcast %add3A_110 : vector<1x16xf32> to vector<128x16xf32>
    %add3A_115 = arith.addf %dot_general3A_113, %add3A_114 : vector<128x16xf32>
    %reduce_sum3A_116 = arith.constant dense<0.000000e+00> : vector<16xf32>
    %reduce_sum3A_117 = vector.multi_reduction <add>, %slice3A_111, %reduce_sum3A_116 [0] : vector<128x16xf32> to vector<16xf32>
    %broadcast_in_dim3A_118 = vector.shape_cast %reduce_sum3A_117 : vector<16xf32> to vector<1x16xf32>
    %add3A_119 = arith.addf %add3A_110, %broadcast_in_dim3A_118 : vector<1x16xf32>
    %slice3A_120 = vector.extract_strided_slice %concatenate3A {offsets = [1024, 0], sizes = [128, 16], strides = [1, 1]} : vector<2048x16xf32> to vector<128x16xf32>
    %dot_general3A_121 = arith.constant dense<0.000000e+00> : vector<128x16xf32>
    %dot_general3A_122 = tpu.matmul %convert_element_type3A_47, %slice3A_120, %dot_general3A_121 {dimension_numbers = #tpu.dot_dimension_numbers<[1], [0], [0], [1], [0, 0, 1, 1], [], []>, transpose_lhs_hint = false} : vector<128x128xf32>, vector<128x16xf32>, vector<128x16xf32> -> vector<128x16xf32>
    %add3A_123 = vector.broadcast %add3A_119 : vector<1x16xf32> to vector<128x16xf32>
    %add3A_124 = arith.addf %dot_general3A_122, %add3A_123 : vector<128x16xf32>
    %reduce_sum3A_125 = arith.constant dense<0.000000e+00> : vector<16xf32>
    %reduce_sum3A_126 = vector.multi_reduction <add>, %slice3A_120, %reduce_sum3A_125 [0] : vector<128x16xf32> to vector<16xf32>
    %broadcast_in_dim3A_127 = vector.shape_cast %reduce_sum3A_126 : vector<16xf32> to vector<1x16xf32>
    %add3A_128 = arith.addf %add3A_119, %broadcast_in_dim3A_127 : vector<1x16xf32>
    %slice3A_129 = vector.extract_strided_slice %concatenate3A {offsets = [1152, 0], sizes = [128, 16], strides = [1, 1]} : vector<2048x16xf32> to vector<128x16xf32>
    %dot_general3A_130 = arith.constant dense<0.000000e+00> : vector<128x16xf32>
    %dot_general3A_131 = tpu.matmul %convert_element_type3A_47, %slice3A_129, %dot_general3A_130 {dimension_numbers = #tpu.dot_dimension_numbers<[1], [0], [0], [1], [0, 0, 1, 1], [], []>, transpose_lhs_hint = false} : vector<128x128xf32>, vector<128x16xf32>, vector<128x16xf32> -> vector<128x16xf32>
    %add3A_132 = vector.broadcast %add3A_128 : vector<1x16xf32> to vector<128x16xf32>
    %add3A_133 = arith.addf %dot_general3A_131, %add3A_132 : vector<128x16xf32>
    %reduce_sum3A_134 = arith.constant dense<0.000000e+00> : vector<16xf32>
    %reduce_sum3A_135 = vector.multi_reduction <add>, %slice3A_129, %reduce_sum3A_134 [0] : vector<128x16xf32> to vector<16xf32>
    %broadcast_in_dim3A_136 = vector.shape_cast %reduce_sum3A_135 : vector<16xf32> to vector<1x16xf32>
    %add3A_137 = arith.addf %add3A_128, %broadcast_in_dim3A_136 : vector<1x16xf32>
    %slice3A_138 = vector.extract_strided_slice %concatenate3A {offsets = [1280, 0], sizes = [128, 16], strides = [1, 1]} : vector<2048x16xf32> to vector<128x16xf32>
    %dot_general3A_139 = arith.constant dense<0.000000e+00> : vector<128x16xf32>
    %dot_general3A_140 = tpu.matmul %convert_element_type3A_47, %slice3A_138, %dot_general3A_139 {dimension_numbers = #tpu.dot_dimension_numbers<[1], [0], [0], [1], [0, 0, 1, 1], [], []>, transpose_lhs_hint = false} : vector<128x128xf32>, vector<128x16xf32>, vector<128x16xf32> -> vector<128x16xf32>
    %add3A_141 = vector.broadcast %add3A_137 : vector<1x16xf32> to vector<128x16xf32>
    %add3A_142 = arith.addf %dot_general3A_140, %add3A_141 : vector<128x16xf32>
    %reduce_sum3A_143 = arith.constant dense<0.000000e+00> : vector<16xf32>
    %reduce_sum3A_144 = vector.multi_reduction <add>, %slice3A_138, %reduce_sum3A_143 [0] : vector<128x16xf32> to vector<16xf32>
    %broadcast_in_dim3A_145 = vector.shape_cast %reduce_sum3A_144 : vector<16xf32> to vector<1x16xf32>
    %add3A_146 = arith.addf %add3A_137, %broadcast_in_dim3A_145 : vector<1x16xf32>
    %slice3A_147 = vector.extract_strided_slice %concatenate3A {offsets = [1408, 0], sizes = [128, 16], strides = [1, 1]} : vector<2048x16xf32> to vector<128x16xf32>
    %dot_general3A_148 = arith.constant dense<0.000000e+00> : vector<128x16xf32>
    %dot_general3A_149 = tpu.matmul %convert_element_type3A_47, %slice3A_147, %dot_general3A_148 {dimension_numbers = #tpu.dot_dimension_numbers<[1], [0], [0], [1], [0, 0, 1, 1], [], []>, transpose_lhs_hint = false} : vector<128x128xf32>, vector<128x16xf32>, vector<128x16xf32> -> vector<128x16xf32>
    %add3A_150 = vector.broadcast %add3A_146 : vector<1x16xf32> to vector<128x16xf32>
    %add3A_151 = arith.addf %dot_general3A_149, %add3A_150 : vector<128x16xf32>
    %reduce_sum3A_152 = arith.constant dense<0.000000e+00> : vector<16xf32>
    %reduce_sum3A_153 = vector.multi_reduction <add>, %slice3A_147, %reduce_sum3A_152 [0] : vector<128x16xf32> to vector<16xf32>
    %broadcast_in_dim3A_154 = vector.shape_cast %reduce_sum3A_153 : vector<16xf32> to vector<1x16xf32>
    %add3A_155 = arith.addf %add3A_146, %broadcast_in_dim3A_154 : vector<1x16xf32>
    %slice3A_156 = vector.extract_strided_slice %concatenate3A {offsets = [1536, 0], sizes = [128, 16], strides = [1, 1]} : vector<2048x16xf32> to vector<128x16xf32>
    %dot_general3A_157 = arith.constant dense<0.000000e+00> : vector<128x16xf32>
    %dot_general3A_158 = tpu.matmul %convert_element_type3A_47, %slice3A_156, %dot_general3A_157 {dimension_numbers = #tpu.dot_dimension_numbers<[1], [0], [0], [1], [0, 0, 1, 1], [], []>, transpose_lhs_hint = false} : vector<128x128xf32>, vector<128x16xf32>, vector<128x16xf32> -> vector<128x16xf32>
    %add3A_159 = vector.broadcast %add3A_155 : vector<1x16xf32> to vector<128x16xf32>
    %add3A_160 = arith.addf %dot_general3A_158, %add3A_159 : vector<128x16xf32>
    %reduce_sum3A_161 = arith.constant dense<0.000000e+00> : vector<16xf32>
    %reduce_sum3A_162 = vector.multi_reduction <add>, %slice3A_156, %reduce_sum3A_161 [0] : vector<128x16xf32> to vector<16xf32>
    %broadcast_in_dim3A_163 = vector.shape_cast %reduce_sum3A_162 : vector<16xf32> to vector<1x16xf32>
    %add3A_164 = arith.addf %add3A_155, %broadcast_in_dim3A_163 : vector<1x16xf32>
    %slice3A_165 = vector.extract_strided_slice %concatenate3A {offsets = [1664, 0], sizes = [128, 16], strides = [1, 1]} : vector<2048x16xf32> to vector<128x16xf32>
    %dot_general3A_166 = arith.constant dense<0.000000e+00> : vector<128x16xf32>
    %dot_general3A_167 = tpu.matmul %convert_element_type3A_47, %slice3A_165, %dot_general3A_166 {dimension_numbers = #tpu.dot_dimension_numbers<[1], [0], [0], [1], [0, 0, 1, 1], [], []>, transpose_lhs_hint = false} : vector<128x128xf32>, vector<128x16xf32>, vector<128x16xf32> -> vector<128x16xf32>
    %add3A_168 = vector.broadcast %add3A_164 : vector<1x16xf32> to vector<128x16xf32>
    %add3A_169 = arith.addf %dot_general3A_167, %add3A_168 : vector<128x16xf32>
    %reduce_sum3A_170 = arith.constant dense<0.000000e+00> : vector<16xf32>
    %reduce_sum3A_171 = vector.multi_reduction <add>, %slice3A_165, %reduce_sum3A_170 [0] : vector<128x16xf32> to vector<16xf32>
    %broadcast_in_dim3A_172 = vector.shape_cast %reduce_sum3A_171 : vector<16xf32> to vector<1x16xf32>
    %add3A_173 = arith.addf %add3A_164, %broadcast_in_dim3A_172 : vector<1x16xf32>
    %slice3A_174 = vector.extract_strided_slice %concatenate3A {offsets = [1792, 0], sizes = [128, 16], strides = [1, 1]} : vector<2048x16xf32> to vector<128x16xf32>
    %dot_general3A_175 = arith.constant dense<0.000000e+00> : vector<128x16xf32>
    %dot_general3A_176 = tpu.matmul %convert_element_type3A_47, %slice3A_174, %dot_general3A_175 {dimension_numbers = #tpu.dot_dimension_numbers<[1], [0], [0], [1], [0, 0, 1, 1], [], []>, transpose_lhs_hint = false} : vector<128x128xf32>, vector<128x16xf32>, vector<128x16xf32> -> vector<128x16xf32>
    %add3A_177 = vector.broadcast %add3A_173 : vector<1x16xf32> to vector<128x16xf32>
    %add3A_178 = arith.addf %dot_general3A_176, %add3A_177 : vector<128x16xf32>
    %reduce_sum3A_179 = arith.constant dense<0.000000e+00> : vector<16xf32>
    %reduce_sum3A_180 = vector.multi_reduction <add>, %slice3A_174, %reduce_sum3A_179 [0] : vector<128x16xf32> to vector<16xf32>
    %broadcast_in_dim3A_181 = vector.shape_cast %reduce_sum3A_180 : vector<16xf32> to vector<1x16xf32>
    %add3A_182 = arith.addf %add3A_173, %broadcast_in_dim3A_181 : vector<1x16xf32>
    %slice3A_183 = vector.extract_strided_slice %concatenate3A {offsets = [1920, 0], sizes = [128, 16], strides = [1, 1]} : vector<2048x16xf32> to vector<128x16xf32>
    %dot_general3A_184 = arith.constant dense<0.000000e+00> : vector<128x16xf32>
    %dot_general3A_185 = tpu.matmul %convert_element_type3A_47, %slice3A_183, %dot_general3A_184 {dimension_numbers = #tpu.dot_dimension_numbers<[1], [0], [0], [1], [0, 0, 1, 1], [], []>, transpose_lhs_hint = false} : vector<128x128xf32>, vector<128x16xf32>, vector<128x16xf32> -> vector<128x16xf32>
    %add3A_186 = vector.broadcast %add3A_182 : vector<1x16xf32> to vector<128x16xf32>
    %add3A_187 = arith.addf %dot_general3A_185, %add3A_186 : vector<128x16xf32>
    %reduce_sum3A_188 = arith.constant dense<0.000000e+00> : vector<16xf32>
    %reduce_sum3A_189 = vector.multi_reduction <add>, %slice3A_183, %reduce_sum3A_188 [0] : vector<128x16xf32> to vector<16xf32>
    %broadcast_in_dim3A_190 = vector.shape_cast %reduce_sum3A_189 : vector<16xf32> to vector<1x16xf32>
    %add3A_191 = arith.addf %add3A_182, %broadcast_in_dim3A_190 : vector<1x16xf32>
    %concatenate3A_192 = tpu.concatenate %add3A_53, %add3A_61, %add3A_70, %add3A_79, %add3A_88, %add3A_97, %add3A_106, %add3A_115, %add3A_124, %add3A_133, %add3A_142, %add3A_151, %add3A_160, %add3A_169, %add3A_178, %add3A_187 in 0 : vector<128x16xf32>, vector<128x16xf32>, vector<128x16xf32>, vector<128x16xf32>, vector<128x16xf32>, vector<128x16xf32>, vector<128x16xf32>, vector<128x16xf32>, vector<128x16xf32>, vector<128x16xf32>, vector<128x16xf32>, vector<128x16xf32>, vector<128x16xf32>, vector<128x16xf32>, vector<128x16xf32>, vector<128x16xf32> -> vector<2048x16xf32>
    %slice3A_193 = vector.extract_strided_slice %concatenate3A_192 {offsets = [0, 0], sizes = [2048, 8], strides = [1, 1]} : vector<2048x16xf32> to vector<2048x8xf32>
    %slice3A_194 = vector.extract_strided_slice %concatenate3A_192 {offsets = [0, 8], sizes = [2048, 8], strides = [1, 1]} : vector<2048x16xf32> to vector<2048x8xf32>
    %slice3A_195 = vector.extract_strided_slice %add3A_191 {offsets = [0, 0], sizes = [1, 8], strides = [1, 1]} : vector<1x16xf32> to vector<1x8xf32>
    %slice3A_196 = vector.extract_strided_slice %add3A_191 {offsets = [0, 8], sizes = [1, 8], strides = [1, 1]} : vector<1x16xf32> to vector<1x8xf32>
    %add3A_197 = arith.addf %slice3A_195, %slice3A_196 : vector<1x8xf32>
    %convert_element_type3A_198 = arith.fptosi %add3A_197 : vector<1x8xf32> to vector<1x8xi32>
    %add3A_199 = arith.constant 255 : i32
    %add3A_200 = vector.broadcast %add3A_199 : i32 to vector<1x8xi32>
    %add3A_201 = arith.addi %convert_element_type3A_198, %add3A_200 : vector<1x8xi32>
    %jit3A_202 = arith.constant 256 : i32
    %div3A_203 = vector.broadcast %jit3A_202 : i32 to vector<1x8xi32>
    %div3A_204 = arith.divsi %add3A_201, %div3A_203 : vector<1x8xi32>
    %sign3A = arith.constant 0 : i32
    %sign3A_205 = vector.broadcast %sign3A : i32 to vector<1x8xi32>
    %sign3A_206 = arith.cmpi sgt, %add3A_201, %sign3A_205 : vector<1x8xi32>
    %sign3A_207 = arith.extui %sign3A_206 : vector<1x8xi1> to vector<1x8xi32>
    %sign3A_208 = arith.constant 0 : i32
    %sign3A_209 = vector.broadcast %sign3A_208 : i32 to vector<1x8xi32>
    %sign3A_210 = arith.cmpi slt, %add3A_201, %sign3A_209 : vector<1x8xi32>
    %sign3A_211 = arith.extui %sign3A_210 : vector<1x8xi1> to vector<1x8xi32>
    %sign3A_212 = arith.subi %sign3A_207, %sign3A_211 : vector<1x8xi32>
    %sign3A_213 = arith.constant 0 : i32
    %sign3A_214 = arith.cmpi sgt, %jit3A_202, %sign3A_213 : i32
    %sign3A_215 = arith.extui %sign3A_214 : i1 to i32
    %sign3A_216 = arith.constant 0 : i32
    %sign3A_217 = arith.cmpi slt, %jit3A_202, %sign3A_216 : i32
    %sign3A_218 = arith.extui %sign3A_217 : i1 to i32
    %sign3A_219 = arith.subi %sign3A_215, %sign3A_218 : i32
    %ne3A = vector.broadcast %sign3A_219 : i32 to vector<1x8xi32>
    %ne3A_220 = arith.cmpi ne, %sign3A_212, %ne3A : vector<1x8xi32>
    %rem3A = vector.broadcast %jit3A_202 : i32 to vector<1x8xi32>
    %rem3A_221 = arith.remsi %add3A_201, %rem3A : vector<1x8xi32>
    %ne3A_222 = arith.constant 0 : i32
    %ne3A_223 = vector.broadcast %ne3A_222 : i32 to vector<1x8xi32>
    %ne3A_224 = arith.cmpi ne, %rem3A_221, %ne3A_223 : vector<1x8xi32>
    %and3A = arith.andi %ne3A_220, %ne3A_224 : vector<1x8xi1>
    %sub3A_225 = arith.constant 1 : i32
    %sub3A_226 = vector.broadcast %sub3A_225 : i32 to vector<1x8xi32>
    %sub3A_227 = arith.subi %div3A_204, %sub3A_226 : vector<1x8xi32>
    %select_n3A_228 = arith.select %and3A, %sub3A_227, %div3A_204 : vector<1x8xi1>, vector<1x8xi32>
    %mul3A = arith.constant 256 : i32
    %mul3A_229 = vector.broadcast %mul3A : i32 to vector<1x8xi32>
    %mul3A_230 = arith.muli %select_n3A_228, %mul3A_229 : vector<1x8xi32>
    %convert_element_type3A_231 = arith.sitofp %mul3A_230 : vector<1x8xi32> to vector<1x8xf32>
    %iota3A_232 = tpu.iota {dimensions = array<i32: 0>} : vector<8x8xi32>
    %iota3A_233 = tpu.iota {dimensions = array<i32: 1>} : vector<8x8xi32>
    %lt3A_234 = arith.cmpi slt, %iota3A_232, %iota3A_233 : vector<8x8xi32>
    %convert_element_type3A_235 = arith.extui %lt3A_234 : vector<8x8xi1> to vector<8x8xi32>
    %convert_element_type3A_236 = arith.sitofp %convert_element_type3A_235 : vector<8x8xi32> to vector<8x8xf32>
    %dot_general3A_237 = arith.constant dense<0.000000e+00> : vector<1x8xf32>
    %dot_general3A_238 = tpu.matmul %convert_element_type3A_231, %convert_element_type3A_236, %dot_general3A_237 {dimension_numbers = #tpu.dot_dimension_numbers<[1], [0], [0], [1], [0, 0, 1, 1], [], []>, transpose_lhs_hint = false} : vector<1x8xf32>, vector<8x8xf32>, vector<1x8xf32> -> vector<1x8xf32>
    %add3A_239 = arith.addf %dot_general3A_238, %convert_element_type3A_231 : vector<1x8xf32>
    %mul3A_240 = arith.mulf %slice3A_193, %convert_element_type3A_41 : vector<2048x8xf32>
    %reduce_sum3A_241 = arith.constant dense<0.000000e+00> : vector<2048xf32>
    %reduce_sum3A_242 = vector.multi_reduction <add>, %mul3A_240, %reduce_sum3A_241 [1] : vector<2048x8xf32> to vector<2048xf32>
    %broadcast_in_dim3A_243 = vector.shape_cast %reduce_sum3A_242 : vector<2048xf32> to vector<2048x1xf32>
    %add3A_244 = vector.broadcast %slice3A_195 : vector<1x8xf32> to vector<2048x8xf32>
    %add3A_245 = arith.addf %add3A_244, %slice3A_194 : vector<2048x8xf32>
    %mul3A_246 = arith.mulf %add3A_245, %convert_element_type3A_43 : vector<2048x8xf32>
    %reduce_sum3A_247 = arith.constant dense<0.000000e+00> : vector<2048xf32>
    %reduce_sum3A_248 = vector.multi_reduction <add>, %mul3A_246, %reduce_sum3A_247 [1] : vector<2048x8xf32> to vector<2048xf32>
    %broadcast_in_dim3A_249 = vector.shape_cast %reduce_sum3A_248 : vector<2048xf32> to vector<2048x1xf32>
    %mul3A_250 = vector.broadcast %dot_general3A_238 : vector<1x8xf32> to vector<2048x8xf32>
    %mul3A_251 = arith.mulf %mul3A_250, %convert_element_type3A_41 : vector<2048x8xf32>
    %reduce_sum3A_252 = arith.constant dense<0.000000e+00> : vector<2048xf32>
    %reduce_sum3A_253 = vector.multi_reduction <add>, %mul3A_251, %reduce_sum3A_252 [1] : vector<2048x8xf32> to vector<2048xf32>
    %broadcast_in_dim3A_254 = vector.shape_cast %reduce_sum3A_253 : vector<2048xf32> to vector<2048x1xf32>
    %mul3A_255 = vector.broadcast %dot_general3A_238 : vector<1x8xf32> to vector<2048x8xf32>
    %mul3A_256 = arith.mulf %mul3A_255, %convert_element_type3A_43 : vector<2048x8xf32>
    %reduce_sum3A_257 = arith.constant dense<0.000000e+00> : vector<2048xf32>
    %reduce_sum3A_258 = vector.multi_reduction <add>, %mul3A_256, %reduce_sum3A_257 [1] : vector<2048x8xf32> to vector<2048xf32>
    %broadcast_in_dim3A_259 = vector.shape_cast %reduce_sum3A_258 : vector<2048xf32> to vector<2048x1xf32>
    %add3A_260 = arith.addf %broadcast_in_dim3A_254, %broadcast_in_dim3A_243 : vector<2048x1xf32>
    %convert_element_type3A_261 = arith.fptosi %add3A_260 : vector<2048x1xf32> to vector<2048x1xi32>
    %reshape3A = vector.shape_cast %convert_element_type3A_261 : vector<2048x1xi32> to vector<2048xi32>
    %swap3A_262 = arith.constant 0 : index
    %swap3A_263 = vector.load %arg2[%swap3A_262] : memref<2048xi32, #tpu.memory_space<vmem>>, vector<2048xi32>
    tpu.vector_store %arg2[%swap3A_262], %reshape3A {strides = array<i32>} : memref<2048xi32, #tpu.memory_space<vmem>>, vector<2048xi32>,
    %add3A_264 = arith.addf %broadcast_in_dim3A_259, %broadcast_in_dim3A_249 : vector<2048x1xf32>
    %convert_element_type3A_265 = arith.fptosi %add3A_264 : vector<2048x1xf32> to vector<2048x1xi32>
    %reshape3A_266 = vector.shape_cast %convert_element_type3A_265 : vector<2048x1xi32> to vector<2048xi32>
    %swap3A_267 = arith.constant 0 : index
    %swap3A_268 = vector.load %arg3[%swap3A_267] : memref<2048xi32, #tpu.memory_space<vmem>>, vector<2048xi32>
    tpu.vector_store %arg3[%swap3A_267], %reshape3A_266 {strides = array<i32>} : memref<2048xi32, #tpu.memory_space<vmem>>, vector<2048xi32>,
    %iota3A_269 = tpu.iota {dimensions = array<i32: 1>} : vector<1x64xi32>
    %mul3A_270 = arith.constant 256 : i32
    %mul3A_271 = vector.broadcast %mul3A_270 : i32 to vector<1x64xi32>
    %mul3A_272 = arith.muli %iota3A_269, %mul3A_271 : vector<1x64xi32>
    %convert_element_type3A_273 = arith.sitofp %mul3A_272 : vector<1x64xi32> to vector<1x64xf32>
    %iota3A_274 = tpu.iota {dimensions = array<i32: 1>} : vector<1x8xi32>
    %broadcast_in_dim3A_275 = arith.constant 0.000000e+00 : f32
    %broadcast_in_dim3A_276 = vector.broadcast %broadcast_in_dim3A_275 : f32 to vector<1x64xf32>
    %eq3A_277 = arith.constant 0 : i32
    %eq3A_278 = vector.broadcast %eq3A_277 : i32 to vector<1x8xi32>
    %eq3A_279 = arith.cmpi eq, %iota3A_274, %eq3A_278 : vector<1x8xi32>
    %jit3A_280 = arith.constant 0.000000e+00 : f32
    %broadcast_in_dim3A_281 = vector.broadcast %jit3A_280 : f32 to vector<1x8xf32>
    %select_n3A_282 = arith.select %eq3A_279, %add3A_239, %broadcast_in_dim3A_281 : vector<1x8xi1>, vector<1x8xf32>
    %reduce_sum3A_283 = arith.constant dense<0.000000e+00> : vector<1xf32>
    %reduce_sum3A_284 = vector.multi_reduction <add>, %select_n3A_282, %reduce_sum3A_283 [1] : vector<1x8xf32> to vector<1xf32>
    %broadcast_in_dim3A_285 = vector.shape_cast %reduce_sum3A_284 : vector<1xf32> to vector<1x1xf32>
    %le3A = vector.broadcast %broadcast_in_dim3A_285 : vector<1x1xf32> to vector<1x64xf32>
    %le3A_286 = arith.cmpf ole, %le3A, %convert_element_type3A_273 : vector<1x64xf32>
    %convert_element_type3A_287 = arith.extui %le3A_286 : vector<1x64xi1> to vector<1x64xi32>
    %convert_element_type3A_288 = arith.sitofp %convert_element_type3A_287 : vector<1x64xi32> to vector<1x64xf32>
    %add3A_289 = arith.addf %broadcast_in_dim3A_276, %convert_element_type3A_288 : vector<1x64xf32>
    %eq3A_290 = arith.constant 1 : i32
    %eq3A_291 = vector.broadcast %eq3A_290 : i32 to vector<1x8xi32>
    %eq3A_292 = arith.cmpi eq, %iota3A_274, %eq3A_291 : vector<1x8xi32>
    %jit3A_293 = arith.constant 0.000000e+00 : f32
    %broadcast_in_dim3A_294 = vector.broadcast %jit3A_293 : f32 to vector<1x8xf32>
    %select_n3A_295 = arith.select %eq3A_292, %add3A_239, %broadcast_in_dim3A_294 : vector<1x8xi1>, vector<1x8xf32>
    %reduce_sum3A_296 = arith.constant dense<0.000000e+00> : vector<1xf32>
    %reduce_sum3A_297 = vector.multi_reduction <add>, %select_n3A_295, %reduce_sum3A_296 [1] : vector<1x8xf32> to vector<1xf32>
    %broadcast_in_dim3A_298 = vector.shape_cast %reduce_sum3A_297 : vector<1xf32> to vector<1x1xf32>
    %le3A_299 = vector.broadcast %broadcast_in_dim3A_298 : vector<1x1xf32> to vector<1x64xf32>
    %le3A_300 = arith.cmpf ole, %le3A_299, %convert_element_type3A_273 : vector<1x64xf32>
    %convert_element_type3A_301 = arith.extui %le3A_300 : vector<1x64xi1> to vector<1x64xi32>
    %convert_element_type3A_302 = arith.sitofp %convert_element_type3A_301 : vector<1x64xi32> to vector<1x64xf32>
    %add3A_303 = arith.addf %add3A_289, %convert_element_type3A_302 : vector<1x64xf32>
    %eq3A_304 = arith.constant 2 : i32
    %eq3A_305 = vector.broadcast %eq3A_304 : i32 to vector<1x8xi32>
    %eq3A_306 = arith.cmpi eq, %iota3A_274, %eq3A_305 : vector<1x8xi32>
    %jit3A_307 = arith.constant 0.000000e+00 : f32
    %broadcast_in_dim3A_308 = vector.broadcast %jit3A_307 : f32 to vector<1x8xf32>
    %select_n3A_309 = arith.select %eq3A_306, %add3A_239, %broadcast_in_dim3A_308 : vector<1x8xi1>, vector<1x8xf32>
    %reduce_sum3A_310 = arith.constant dense<0.000000e+00> : vector<1xf32>
    %reduce_sum3A_311 = vector.multi_reduction <add>, %select_n3A_309, %reduce_sum3A_310 [1] : vector<1x8xf32> to vector<1xf32>
    %broadcast_in_dim3A_312 = vector.shape_cast %reduce_sum3A_311 : vector<1xf32> to vector<1x1xf32>
    %le3A_313 = vector.broadcast %broadcast_in_dim3A_312 : vector<1x1xf32> to vector<1x64xf32>
    %le3A_314 = arith.cmpf ole, %le3A_313, %convert_element_type3A_273 : vector<1x64xf32>
    %convert_element_type3A_315 = arith.extui %le3A_314 : vector<1x64xi1> to vector<1x64xi32>
    %convert_element_type3A_316 = arith.sitofp %convert_element_type3A_315 : vector<1x64xi32> to vector<1x64xf32>
    %add3A_317 = arith.addf %add3A_303, %convert_element_type3A_316 : vector<1x64xf32>
    %eq3A_318 = arith.constant 3 : i32
    %eq3A_319 = vector.broadcast %eq3A_318 : i32 to vector<1x8xi32>
    %eq3A_320 = arith.cmpi eq, %iota3A_274, %eq3A_319 : vector<1x8xi32>
    %jit3A_321 = arith.constant 0.000000e+00 : f32
    %broadcast_in_dim3A_322 = vector.broadcast %jit3A_321 : f32 to vector<1x8xf32>
    %select_n3A_323 = arith.select %eq3A_320, %add3A_239, %broadcast_in_dim3A_322 : vector<1x8xi1>, vector<1x8xf32>
    %reduce_sum3A_324 = arith.constant dense<0.000000e+00> : vector<1xf32>
    %reduce_sum3A_325 = vector.multi_reduction <add>, %select_n3A_323, %reduce_sum3A_324 [1] : vector<1x8xf32> to vector<1xf32>
    %broadcast_in_dim3A_326 = vector.shape_cast %reduce_sum3A_325 : vector<1xf32> to vector<1x1xf32>
    %le3A_327 = vector.broadcast %broadcast_in_dim3A_326 : vector<1x1xf32> to vector<1x64xf32>
    %le3A_328 = arith.cmpf ole, %le3A_327, %convert_element_type3A_273 : vector<1x64xf32>
    %convert_element_type3A_329 = arith.extui %le3A_328 : vector<1x64xi1> to vector<1x64xi32>
    %convert_element_type3A_330 = arith.sitofp %convert_element_type3A_329 : vector<1x64xi32> to vector<1x64xf32>
    %add3A_331 = arith.addf %add3A_317, %convert_element_type3A_330 : vector<1x64xf32>
    %eq3A_332 = arith.constant 4 : i32
    %eq3A_333 = vector.broadcast %eq3A_332 : i32 to vector<1x8xi32>
    %eq3A_334 = arith.cmpi eq, %iota3A_274, %eq3A_333 : vector<1x8xi32>
    %jit3A_335 = arith.constant 0.000000e+00 : f32
    %broadcast_in_dim3A_336 = vector.broadcast %jit3A_335 : f32 to vector<1x8xf32>
    %select_n3A_337 = arith.select %eq3A_334, %add3A_239, %broadcast_in_dim3A_336 : vector<1x8xi1>, vector<1x8xf32>
    %reduce_sum3A_338 = arith.constant dense<0.000000e+00> : vector<1xf32>
    %reduce_sum3A_339 = vector.multi_reduction <add>, %select_n3A_337, %reduce_sum3A_338 [1] : vector<1x8xf32> to vector<1xf32>
    %broadcast_in_dim3A_340 = vector.shape_cast %reduce_sum3A_339 : vector<1xf32> to vector<1x1xf32>
    %le3A_341 = vector.broadcast %broadcast_in_dim3A_340 : vector<1x1xf32> to vector<1x64xf32>
    %le3A_342 = arith.cmpf ole, %le3A_341, %convert_element_type3A_273 : vector<1x64xf32>
    %convert_element_type3A_343 = arith.extui %le3A_342 : vector<1x64xi1> to vector<1x64xi32>
    %convert_element_type3A_344 = arith.sitofp %convert_element_type3A_343 : vector<1x64xi32> to vector<1x64xf32>
    %add3A_345 = arith.addf %add3A_331, %convert_element_type3A_344 : vector<1x64xf32>
    %eq3A_346 = arith.constant 5 : i32
    %eq3A_347 = vector.broadcast %eq3A_346 : i32 to vector<1x8xi32>
    %eq3A_348 = arith.cmpi eq, %iota3A_274, %eq3A_347 : vector<1x8xi32>
    %jit3A_349 = arith.constant 0.000000e+00 : f32
    %broadcast_in_dim3A_350 = vector.broadcast %jit3A_349 : f32 to vector<1x8xf32>
    %select_n3A_351 = arith.select %eq3A_348, %add3A_239, %broadcast_in_dim3A_350 : vector<1x8xi1>, vector<1x8xf32>
    %reduce_sum3A_352 = arith.constant dense<0.000000e+00> : vector<1xf32>
    %reduce_sum3A_353 = vector.multi_reduction <add>, %select_n3A_351, %reduce_sum3A_352 [1] : vector<1x8xf32> to vector<1xf32>
    %broadcast_in_dim3A_354 = vector.shape_cast %reduce_sum3A_353 : vector<1xf32> to vector<1x1xf32>
    %le3A_355 = vector.broadcast %broadcast_in_dim3A_354 : vector<1x1xf32> to vector<1x64xf32>
    %le3A_356 = arith.cmpf ole, %le3A_355, %convert_element_type3A_273 : vector<1x64xf32>
    %convert_element_type3A_357 = arith.extui %le3A_356 : vector<1x64xi1> to vector<1x64xi32>
    %convert_element_type3A_358 = arith.sitofp %convert_element_type3A_357 : vector<1x64xi32> to vector<1x64xf32>
    %add3A_359 = arith.addf %add3A_345, %convert_element_type3A_358 : vector<1x64xf32>
    %eq3A_360 = arith.constant 6 : i32
    %eq3A_361 = vector.broadcast %eq3A_360 : i32 to vector<1x8xi32>
    %eq3A_362 = arith.cmpi eq, %iota3A_274, %eq3A_361 : vector<1x8xi32>
    %jit3A_363 = arith.constant 0.000000e+00 : f32
    %broadcast_in_dim3A_364 = vector.broadcast %jit3A_363 : f32 to vector<1x8xf32>
    %select_n3A_365 = arith.select %eq3A_362, %add3A_239, %broadcast_in_dim3A_364 : vector<1x8xi1>, vector<1x8xf32>
    %reduce_sum3A_366 = arith.constant dense<0.000000e+00> : vector<1xf32>
    %reduce_sum3A_367 = vector.multi_reduction <add>, %select_n3A_365, %reduce_sum3A_366 [1] : vector<1x8xf32> to vector<1xf32>
    %broadcast_in_dim3A_368 = vector.shape_cast %reduce_sum3A_367 : vector<1xf32> to vector<1x1xf32>
    %le3A_369 = vector.broadcast %broadcast_in_dim3A_368 : vector<1x1xf32> to vector<1x64xf32>
    %le3A_370 = arith.cmpf ole, %le3A_369, %convert_element_type3A_273 : vector<1x64xf32>
    %convert_element_type3A_371 = arith.extui %le3A_370 : vector<1x64xi1> to vector<1x64xi32>
    %convert_element_type3A_372 = arith.sitofp %convert_element_type3A_371 : vector<1x64xi32> to vector<1x64xf32>
    %add3A_373 = arith.addf %add3A_359, %convert_element_type3A_372 : vector<1x64xf32>
    %eq3A_374 = arith.constant 7 : i32
    %eq3A_375 = vector.broadcast %eq3A_374 : i32 to vector<1x8xi32>
    %eq3A_376 = arith.cmpi eq, %iota3A_274, %eq3A_375 : vector<1x8xi32>
    %jit3A_377 = arith.constant 0.000000e+00 : f32
    %broadcast_in_dim3A_378 = vector.broadcast %jit3A_377 : f32 to vector<1x8xf32>
    %select_n3A_379 = arith.select %eq3A_376, %add3A_239, %broadcast_in_dim3A_378 : vector<1x8xi1>, vector<1x8xf32>
    %reduce_sum3A_380 = arith.constant dense<0.000000e+00> : vector<1xf32>
    %reduce_sum3A_381 = vector.multi_reduction <add>, %select_n3A_379, %reduce_sum3A_380 [1] : vector<1x8xf32> to vector<1xf32>
    %broadcast_in_dim3A_382 = vector.shape_cast %reduce_sum3A_381 : vector<1xf32> to vector<1x1xf32>
    %le3A_383 = vector.broadcast %broadcast_in_dim3A_382 : vector<1x1xf32> to vector<1x64xf32>
    %le3A_384 = arith.cmpf ole, %le3A_383, %convert_element_type3A_273 : vector<1x64xf32>
    %convert_element_type3A_385 = arith.extui %le3A_384 : vector<1x64xi1> to vector<1x64xi32>
    %convert_element_type3A_386 = arith.sitofp %convert_element_type3A_385 : vector<1x64xi32> to vector<1x64xf32>
    %add3A_387 = arith.addf %add3A_373, %convert_element_type3A_386 : vector<1x64xf32>
    %min3A = arith.constant 7.000000e+00 : f32
    %min3A_388 = vector.broadcast %min3A : f32 to vector<1x64xf32>
    %min3A_389 = arith.minimumf %add3A_387, %min3A_388 : vector<1x64xf32>
    %convert_element_type3A_390 = arith.fptosi %min3A_389 : vector<1x64xf32> to vector<1x64xi32>
    %reduce_sum3A_391 = arith.constant dense<0.000000e+00> : vector<1xf32>
    %reduce_sum3A_392 = vector.multi_reduction <add>, %convert_element_type3A_231, %reduce_sum3A_391 [1] : vector<1x8xf32> to vector<1xf32>
    %broadcast_in_dim3A_393 = vector.shape_cast %reduce_sum3A_392 : vector<1xf32> to vector<1x1xf32>
    %convert_element_type3A_394 = arith.fptosi %broadcast_in_dim3A_393 : vector<1x1xf32> to vector<1x1xi32>
    %jit3A_395 = arith.constant 256 : i32
    %div3A_396 = vector.broadcast %jit3A_395 : i32 to vector<1x1xi32>
    %div3A_397 = arith.divsi %convert_element_type3A_394, %div3A_396 : vector<1x1xi32>
    %sign3A_398 = arith.constant 0 : i32
    %sign3A_399 = vector.broadcast %sign3A_398 : i32 to vector<1x1xi32>
    %sign3A_400 = arith.cmpi sgt, %convert_element_type3A_394, %sign3A_399 : vector<1x1xi32>
    %sign3A_401 = arith.extui %sign3A_400 : vector<1x1xi1> to vector<1x1xi32>
    %sign3A_402 = arith.constant 0 : i32
    %sign3A_403 = vector.broadcast %sign3A_402 : i32 to vector<1x1xi32>
    %sign3A_404 = arith.cmpi slt, %convert_element_type3A_394, %sign3A_403 : vector<1x1xi32>
    %sign3A_405 = arith.extui %sign3A_404 : vector<1x1xi1> to vector<1x1xi32>
    %sign3A_406 = arith.subi %sign3A_401, %sign3A_405 : vector<1x1xi32>
    %sign3A_407 = arith.constant 0 : i32
    %sign3A_408 = arith.cmpi sgt, %jit3A_395, %sign3A_407 : i32
    %sign3A_409 = arith.extui %sign3A_408 : i1 to i32
    %sign3A_410 = arith.constant 0 : i32
    %sign3A_411 = arith.cmpi slt, %jit3A_395, %sign3A_410 : i32
    %sign3A_412 = arith.extui %sign3A_411 : i1 to i32
    %sign3A_413 = arith.subi %sign3A_409, %sign3A_412 : i32
    %ne3A_414 = vector.broadcast %sign3A_413 : i32 to vector<1x1xi32>
    %ne3A_415 = arith.cmpi ne, %sign3A_406, %ne3A_414 : vector<1x1xi32>
    %rem3A_416 = vector.broadcast %jit3A_395 : i32 to vector<1x1xi32>
    %rem3A_417 = arith.remsi %convert_element_type3A_394, %rem3A_416 : vector<1x1xi32>
    %ne3A_418 = arith.constant 0 : i32
    %ne3A_419 = vector.broadcast %ne3A_418 : i32 to vector<1x1xi32>
    %ne3A_420 = arith.cmpi ne, %rem3A_417, %ne3A_419 : vector<1x1xi32>
    %and3A_421 = arith.andi %ne3A_415, %ne3A_420 : vector<1x1xi1>
    %sub3A_422 = arith.constant 1 : i32
    %sub3A_423 = vector.broadcast %sub3A_422 : i32 to vector<1x1xi32>
    %sub3A_424 = arith.subi %div3A_397, %sub3A_423 : vector<1x1xi32>
    %select_n3A_425 = arith.select %and3A_421, %sub3A_424, %div3A_397 : vector<1x1xi1>, vector<1x1xi32>
    %iota3A_426 = tpu.iota {dimensions = array<i32: 1>} : vector<1x64xi32>
    %eq3A_427 = arith.constant 63 : i32
    %eq3A_428 = vector.broadcast %eq3A_427 : i32 to vector<1x64xi32>
    %eq3A_429 = arith.cmpi eq, %iota3A_426, %eq3A_428 : vector<1x64xi32>
    %broadcast_in_dim3A_430 = vector.shape_cast %select_n3A_425 : vector<1x1xi32> to vector<1x1xi32>
    %broadcast_in_dim3A_431 = vector.broadcast %broadcast_in_dim3A_430 : vector<1x1xi32> to vector<1x64xi32>
    %select_n3A_432 = arith.select %eq3A_429, %broadcast_in_dim3A_431, %convert_element_type3A_390 : vector<1x64xi1>, vector<1x64xi32>
    %swap3A_433 = arith.constant 0 : index
    %swap3A_434 = arith.constant 0 : index
    %swap3A_435 = vector.load %arg6[%swap3A_433, %swap3A_434] : memref<1x64xi32, #tpu.memory_space<vmem>>, vector<1x64xi32>
    tpu.vector_store %arg6[%swap3A_433, %swap3A_434], %select_n3A_432 {strides = array<i32>} : memref<1x64xi32, #tpu.memory_space<vmem>>, vector<1x64xi32>,
    return
  }
}

</mosaic_0001>

<sc_bundles>
// kernel: kernel.11.cloned.1.call-start
scs
__scs_entry_jumppad:
0x0: {  	(pc) =	sbr.rel $0x88, $3  }
0x1: {  	(tag) =	ssettag $0x0;
	lr =	simm.s32 $0x1  }
0x2: {  	[smem:$0x3F9B] =	sst lr;
	_ =	strace $0xD0000000  }
0x3: {  	_ = 	snop  }
0x4: {  	_ = 	snop  }
0x5: {  	_ = 	snop  }
0x6: {  	_ = 	snop  }
0x7: {  	_ = 	snop  }
__scs_overlays_trampoline_lowered:
0x8: {  	[smem:$0x3FAA] =	sst s0  }
0x9: {  	[smem:$0x3FAB] =	sst s1  }
0xa: {  	[smem:$0x3FAC] =	sst s2  }
0xb: {  	[smem:$0x3FAD] =	sst s3  }
0xc: {  	[smem:$0x3FAE] =	sst s4  }
0xd: {  	[smem:$0x3FAF] =	sst s5  }
0xe: {  	[smem:$0x3FB0] =	sst s6  }
0xf: {  	[smem:$0x3FB1] =	sst s7  }
0x10: {  	[smem:$0x3FB2] =	sst s8  }
0x11: {  	[smem:$0x3FB3] =	sst s9;
	s0 =	simm.s32 @!p0 $0x0  }
0x12: {  	s1 =	sld [smem:$0x3F99];
	s0 =	simm.s32 @p0 $0x1  }
0x13: {  	[smem:$0x3FB4] =	sst s0;
	s0 =	simm.s32 @!p1 $0x0  }
0x14: {  	s2 =	sld [smem:$0x3F98];
	s0 =	simm.s32 @p1 $0x1  }
0x15: {  	[smem:$0x3FB5] =	sst s0;
	s0 =	simm.s32 @!p2 $0x0  }
0x16: {  	s3 =	sld [smem:$0x3FDB];
	s0 =	simm.s32 @p2 $0x1  }
0x17: {  	s4 =	simm.s32 $0x1BF5;
	[smem:$0x3FB7] =	sst s0  }
0x18: {  	s0 =	sld [smem:$0x3F9A];
	_ =	swait.ge [sflag:s4], $0x0  }
0x19: {  	s7 =	sld [smem:$0x3F9B]  }
0x1a: {  	s8 =	sadd.s32 $0xFFFFE003, lr  }
0x1b: {  	s9 =	sadd.s32 $0xFFFFFEF7, lr;
	s5 =	simm.s32 $0xFFFFFFFF;
	p2 =	slt.u32 s8, $0xFFFFF086  }
0x1c: {  	p1 =	slt.u32 s9, $0xF7A;
	s5 =	simm.s32 @!p2 $0x0  }
0x1d: {  	s5 =	simm.s32 @p1 $0x1;
	p0 =	seq.s32 s7, s2  }
0x1e: {  	s7 =	smul.u32 @!p0 $0xF7A, s2;
	p2 =	seq.s32 @!p0 s5, $0x0  }
0x1f: {  	s9 =	smul.u32 $0xF7A, s1;
	s8 =	simm.s32 @!p0 $0x1BF5;
	p2 =	por !p2, p0  }
0x20: {  	[sflag:s8] =	ssyncset.s32 @!p0 $0xFFFFF086;
	s6 =	sadd.s32 @!p0 s3, s7;
	s7 =	simm.s32 @!p0 $0x108  }
0x21: {  	s3 =	sadd.s32 s3, s9;
	s6 =	sadd.s32 @!p0 $0x88, s6;
	s7 =	simm.s32 @p2 $0x1082  }
0x22: {  	[simem:s7], [sflag:s8] =	dma.local @!p0 [hbm:s6], $0xF7A  }
0x23: {  	s9 =	sor.u32 $0xD0000000, s2;
	s6 =	simm.s32 $0x108;
	_ =	swait.ge @!p0 [sflag:s8], $0x0  }
0x24: {  	s3 =	sadd.s32 $0x88, s3;
	s6 =	simm.s32 @!p1 $0x1082;
	[sflag:s4] =	ssyncset.s32 $0xFFFFF086  }
0x25: {  	[simem:s6], [sflag:s4] =	dma.local [hbm:s3], $0xF7A  }
0x26: {  	[smem:$0x3F9B] =	sst s1;
	(tag) =	ssettag s2;
	_ =	strace s9  }
0x27: {  	s1 =	sld [smem:$0x3FAB]  }
0x28: {  	s2 =	sld [smem:$0x3FAC]  }
0x29: {  	s4 =	sld [smem:$0x3FAE]  }
0x2a: {  	p0 =	seq.s32 s5, $0x0;
	s5 =	sld [smem:$0x3FAF]  }
0x2b: {  	s6 =	sld [smem:$0x3FB0]  }
0x2c: {  	s7 =	sld [smem:$0x3FB1]  }
0x2d: {  	s3 =	simm.s32 $0x108;
	s8 =	sld [smem:$0x3FB2]  }
0x2e: {  	s3 =	simm.s32 @!p0 $0x1082;
	s9 =	sld [smem:$0x3FB3]  }
0x2f: {  	lr =	sadd.s32 s0, s3;
	s0 =	sld [smem:$0x3FAA]  }
0x30: {  	s3 =	sld [smem:$0x3FAD]  }
0x31: {  	[smem:$0x3FB6] =	sst s10  }
0x32: {  	s10 =	sld [smem:$0x3FB4];
	_ =	sdelay $0x3  }
0x33: {  	p0 =	seq.s32 s10, $0x1;
	s10 =	sld [smem:$0x3FB6];
	_ =	sdelay $0x3  }
0x34: {  	[smem:$0x3FB6] =	sst s10  }
0x35: {  	s10 =	sld [smem:$0x3FB5];
	_ =	sdelay $0x3  }
0x36: {  	p1 =	seq.s32 s10, $0x1;
	s10 =	sld [smem:$0x3FB6];
	_ =	sdelay $0x3  }
0x37: {  	[smem:$0x3FB6] =	sst s10  }
0x38: {  	s10 =	sld [smem:$0x3FB7]  }
0x39: {  	_ = 	snop;
	(pc) =	sbr.ind lr, $3  }
0x3a: {  	_ = 	snop  }
0x3b: {  	_ = 	snop  }
0x3c: {  	p2 =	seq.s32 s10, $0x1;
	s10 =	sld [smem:$0x3FB6]  }
0x3d: {  	_ =	shalt  }
0x3e: {  	_ =	shalt  }
0x3f: {  	_ =	shalt  }
0x40: {  	_ =	shalt  }
0x41: {  	_ =	shalt  }
0x42: {  	_ =	shalt  }
0x43: {  	_ =	shalt  }
0x44: {  	_ =	shalt  }
0x45: {  	_ =	shalt  }
0x46: {  	_ =	shalt  }
0x47: {  	_ =	shalt  }
0x48: {  	_ =	shalt  }
0x49: {  	_ =	shalt  }
0x4a: {  	_ =	shalt  }
0x4b: {  	_ =	shalt  }
0x4c: {  	_ =	shalt  }
0x4d: {  	_ =	shalt  }
0x4e: {  	_ =	shalt  }
0x4f: {  	_ =	shalt  }
0x50: {  	_ =	shalt  }
0x51: {  	_ =	shalt  }
0x52: {  	_ =	shalt  }
0x53: {  	_ =	shalt  }
0x54: {  	_ =	shalt  }
0x55: {  	_ =	shalt  }
0x56: {  	_ =	shalt  }
0x57: {  	_ =	shalt  }
0x58: {  	_ =	shalt  }
0x59: {  	_ =	shalt  }
0x5a: {  	_ =	shalt  }
0x5b: {  	_ =	shalt  }
0x5c: {  	_ =	shalt  }
0x5d: {  	_ =	shalt  }
0x5e: {  	_ =	shalt  }
0x5f: {  	_ =	shalt  }
0x60: {  	_ =	shalt  }
0x61: {  	_ =	shalt  }
0x62: {  	_ =	shalt  }
0x63: {  	_ =	shalt  }
0x64: {  	_ =	shalt  }
0x65: {  	_ =	shalt  }
0x66: {  	_ =	shalt  }
0x67: {  	_ =	shalt  }
0x68: {  	_ =	shalt  }
0x69: {  	_ =	shalt  }
0x6a: {  	_ =	shalt  }
0x6b: {  	_ =	shalt  }
0x6c: {  	_ =	shalt  }
0x6d: {  	_ =	shalt  }
0x6e: {  	_ =	shalt  }
0x6f: {  	_ =	shalt  }
0x70: {  	_ =	shalt  }
0x71: {  	_ =	shalt  }
0x72: {  	_ =	shalt  }
0x73: {  	_ =	shalt  }
0x74: {  	_ =	shalt  }
0x75: {  	_ =	shalt  }
0x76: {  	_ =	shalt  }
0x77: {  	_ =	shalt  }
0x78: {  	_ =	shalt  }
0x79: {  	_ =	shalt  }
0x7a: {  	_ =	shalt  }
0x7b: {  	_ =	shalt  }
0x7c: {  	_ =	shalt  }
0x7d: {  	_ =	shalt  }
0x7e: {  	_ =	shalt  }
0x7f: {  	_ =	shalt  }
0x80: {  	_ =	shalt  }
0x81: {  	_ =	shalt  }
0x82: {  	_ =	shalt  }
0x83: {  	_ =	shalt  }
0x84: {  	_ =	shalt  }
0x85: {  	_ =	shalt  }
0x86: {  	_ =	shalt  }
0x87: {  	_ =	shalt  }
.Lfunc_end0:
.L_simem_size_0:
called_computation.1_lowered:
.L_overlay_start_0:
0x88: {  	s2 =	sld [smem:$0x3FD9]  }
0x89: {  	s3 =	sld [smem:$0x3FFE];
	_ =	sdelay $0x1  }
0x8a: {  	s1 =	srdreg.scid  }
0x8b: {  	s0 =	sand.u32 $0x1, s1  }
0x8c: {  	s17 =	sshll.u32 s0, $0xA;
	s2 =	sadd.s32 s3, s2  }
0x8d: {  	s2 =	sadd.s32 s2, s17  }
0x8e: {  	[smem:$0x3FC2] =	sst s2  }
0x8f: {  	_ = 	snop  }
0x90: {  	s2 =	sld [smem:$0x3FD0];
	(tm) =	ssettm $0x1  }
0x91: {  	s18 =	sld [smem:$0x3FFB];
	_ =	sdelay $0x3  }
0x92: {  	_ =	strace s18  }
0x93: {  	s3 =	sld [smem:$0x3FFC];
	_ =	sdelay $0x3  }
0x94: {  	_ =	strace s3  }
0x95: {  	s3 =	sld [smem:$0x3FFD];
	_ =	sdelay $0x3  }
0x96: {  	_ =	strace s3  }
0x97: {  	_ =	strace $0x8FFFFFFF  }
0x98: {  	s19 =	sld [smem:$0x3FDB];
	_ =	sdelay $0x1  }
0x99: {  	s4 =	simm.s32 $_scs_section_size  }
0x9a: {  	s5 =	simm.s32 $_size__tile_overlayer_lowered;
	s6 =	simm.s32 $_tile_overlayer_lowered  }
0x9b: {  	s22 =	simm.s32 $0x1BFF;
	s21 =	sshll.u32 s6, $0x1;
	s3 =	sadd.s32 s4, s19  }
0x9c: {  	s7 =	simm.s32 $0x0;
	s20 =	sshll.u32 s5, $0x1;
	s5 =	sadd.s32 s21, s3  }
0x9d: {  	[timem:s7], [sflag:s22] =	dma.local [hbm:s5], s20  }
0x9e: {  	_ =	swait.ge [sflag:s22], s20  }
0x9f: {  	s4 =	ssub.s32 $0x0, s20;
	[sflag:s22] =	ssyncset.done $0x0  }
0xa0: {  	[sflag:s22] =	ssyncadd.s32 s4;
	_ =	sdelay $0x1  }
0xa1: {  	s23 =	simm.s32 $0x1B8B  }
0xa2: {  	_ =	swait.ge [sflag:s23], $0x1  }
0xa3: {  	[sflag:s23] =	ssyncset.done $0x0  }
0xa4: {  	s25 =	simm.s32 $0x1B8E;
	s24 =	sld [smem:$0x3FFE];
	[sflag:s23] =	ssyncadd.s32 $0xFFFFFFFF  }
0xa5: {  	s26 =	simm.s32 $execute0_lowered;
	[smem:$0x3FD2] =	sst s25  }
0xa6: {  	s5 =	sshll.u32 s26, $0x1;
	_ =	strace $0x80000049;
	[dreg:$0x1] =	wrdreg $0xFFFFFFFF  }
0xa7: {  	s28 =	simm.s32 $_size_execute0_lowered;
	s3 =	sadd.s32 s3, s5;
	[dreg:$0x0] =	wrdreg $0x0  }
0xa8: {  	s5 =	sshll.u32 s28, $0x1;
	[dreg:$0x2] =	wrdreg s3  }
0xa9: {  	[dreg:$0x3] =	wrdreg s5  }
0xaa: {  	[dreg:$0x4] =	wrdreg $0xC0  }
0xab: {  	_ =	task [dreg:s7], $0x5FFFF  }
0xac: {  	[dreg:$0x1] =	wrdreg $0xFFFFFFFF  }
0xad: {  	[dreg:$0x0] =	wrdreg $0x60  }
0xae: {  	[dreg:$0x2] =	wrdreg s24  }
0xaf: {  	[dreg:$0x3] =	wrdreg s2  }
0xb0: {  	[dreg:$0x4] =	wrdreg $0x9  }
0xb1: {  	_ =	task.clear_ibuf [dreg:s7], $0x5FFFF;
	_ =	strace $0x90000049  }
0xb2: {  	s29 =	simm.s32 $0x9;
	_ =	strace $0x8000004B  }
0xb3: {  	_ =	swait.ge [sflag:s29], $0x1  }
0xb4: {  	[sflag:s29] =	ssyncadd.s32 $0xFFFFFFFF  }
0xb5: {  	_ =	strace $0x9000004B  }
0xb6: {  	_ =	sfence  }
0xb7: {  	s30 =	sld [smem:$0x0];
	_ =	sdelay $0x2  }
0xb8: {  	s31 =	sshll.u32 s1, $0xD;
	s1 =	sshrl.u32 s1, $0x2  }
0xb9: {  	s3 =	sand.u32 $0x4000, s31;
	s1 =	sadd.s32 s1, s30  }
0xba: {  	s0 =	sor.u32 s3, s0;
	s1 =	sshll.u32 s1, $0x11  }
0xbb: {  	s0 =	sor.u32 s1, s0  }
0xbc: {  	s0 =	sadd.s32 $0x8F2B, s0  }
0xbd: {  	[sflag:s0] =	ssyncadd.remote.s32 $0x1  }
0xbe: {  	_ =	sfence.sel $0xFFFF  }
0xbf: {  	[dreg:$0x0] =	wrdreg $0xFFFFFFFF;
	(pc) =	sbr.abs _section_cstart, $3  }
0xc0: {  	[dreg:$0x1] =	wrdreg $0xFFFFFFFF  }
0xc1: {  	_ =	task.clear_ibuf [dreg:s7], $0x2FFFF;
	_ =	strace $0x9FFFFFFF  }
0xc2: {  	(tm) =	ssettm $0x7FFFFFFF  }
0xc3: {  	_ =	shalt  }
tec
execute0_lowered:
.L_overlay_start_1:
0x0: {  	(tag) =	ssettag $0x1  }
0x1: {  	s0 =	rddreg [dreg:$0x0]  }
0x2: {  	s1 =	rddreg [dreg:$0x1];
	s3 =	srdreg.scid  }
0x3: {  	s2 =	simm.s32 $0x0;
	s5 =	stileid.u32;
	s18 =	simm.s32 $0x1  }
0x4: {  	s20 =	simm.s32 $0x880;
	s21 =	simm.s32 $0x1080;
	s28 =	simm.s32 $0x4080  }
0x5: {  	s29 =	simm.s32 $0x4880;
	s30 =	simm.s32 $0x5080;
	s31 =	simm.s32 $0x5880  }
0x6: {  	s10 =	simm.s32 $0x7080;
	s11 =	simm.s32 $0x7880;
	s12 =	simm.s32 $0x8080  }
0x7: {  	s13 =	simm.s32 $0x8880;
	s14 =	simm.s32 $0x9080;
	s15 =	simm.s32 $0x9880  }
0x8: {  	s16 =	simm.s32 $0xA080;
	s17 =	simm.s32 $0xA880;
	s4 =	sand.u32 $0x1, s3  }
0x9: {  	[smem:$0x7FF] =	sst s2;
	s22 =	sshll.u32 s5, $0x7;
	s3 =	sadd.s32 $0xC1C00, s0  }
0xa: {  	s23 =	sshll.u32 s4, $0x6;
	_ =	strace $0x8000004A;
	s4 =	ssub.s32 $0x2, s4  }
0xb: {  	s5 =	sor.u32 s23, s22;
	s8 =	sshrl.u32 s4, $0x1;
	s22 =	simm.s32 $0x1880  }
0xc: {  	s23 =	simm.s32 $0x2080;
	s6 =	sshrl.u32 s5, $0x3;
	s5 =	sshll.u32 s5, $0x7  }
0xd: {  	s8 =	ssub.s32 s4, s8;
	s4 =	sadd.s32 $0xC1D00, s0;
	s7 =	sadd.s32 s6, s0  }
0xe: {  	s9 =	sadd.s32 s5, s0;
	s1 =	sadd.s32 s1, s6;
	s5 =	sadd.s32 $0xC1E00, s0  }
0xf: {  	s6 =	sadd.s32 $0xC1F00, s0;
	[dreg:$0x3] =	wrdreg s1;
	s24 =	sadd.s32 $0x1C00, s9  }
0x10: {  	s0 =	simm.s32 $0x80;
	s25 =	sadd.s32 $0x1A00, s7;
	[dreg:$0x4] =	wrdreg s24  }
0x11: {  	v2 =	vlaneseq.u32;
	s26 =	sadd.s32 $0x41C00, s9;
	s7 =	smax.u32 s8, $0x1;
	[dreg:$0x5] =	wrdreg s25  }
0x12: {  	vm0 =	vmmov $0xffff;
	v1 =	vshrl.u32 v2, $0x3;
	s8 =	simm.s32 $0x2;
	s9 =	simm.s32 $0xB080;
	[dreg:$0x6] =	wrdreg s26  }
0x13: {  	v0 =	vand.u32 $0x7, v2;
	v2 =	vor.u32 $0x8, v2;
	v1 =	vmul.u32 $0x8, v1;
	s24 =	simm.s32 $0x2880;
	s25 =	simm.s32 $0x3080;
	s26 =	simm.s32 $0x3880  }
.LBB2_1:
0x14: {  	s19 =	rddreg [dreg:$0x3]  }
0x15: {  	[tilespmem:s2], [sflag:$0x2] =	stream.linear.gather [hbm4b:s19+s2], $0x40, $0x38;
	[tilespmem:$0x10080] =	vst v63  }
0x16: {  	_ =	swait.ge [sflag:s8], $0x40  }
0x17: {  	[sflag:s8] =	ssyncset.done $0x0  }
0x18: {  	[sflag:s8] =	ssyncadd.s32 $0xFFFFFFC0  }
0x19: {  	v3 =	vld [tilespmem:$0x0];
	_ =	sdelay $0x4  }
0x1a: {  	v4 =	vshll.u32 v3, $0x3  }
0x1b: {  	v3 =	vand.u32 $0x7, v3;
	v4 =	vand.u32 $0xFFFFFFC0, v4  }
0x1c: {  	v3 =	vor.u32 v3, v4  }
0x1d: {  	v4 =	vperm.xlane v3, v0;
	_ =	sdelay $0x1  }
0x1e: {  	v4 =	vadd.s32 v1, v4;
	_ =	sdelay $0x4  }
0x1f: {  	[tilespmem:s0], [sflag:$0x1] =	stream.indirect_vreg.gather [hbm4b:s3+s2], $0x80, v4, vm0, $0xb8;
	[tilespmem:$0x10080] =	vst v63  }
0x20: {  	v3 =	vperm.xlane v3, v2  }
0x21: {  	[tilespmem:s20], [sflag:$0x1] =	stream.indirect_vreg.gather [hbm4b:s4+s2], $0x80, v4, vm0, $0xb8;
	[tilespmem:$0x10080] =	vst v63  }
0x22: {  	v3 =	vadd.s32 v1, v3  }
0x23: {  	[tilespmem:s21], [sflag:$0x1] =	stream.indirect_vreg.gather [hbm4b:s5+s2], $0x80, v4, vm0, $0xb8;
	[tilespmem:$0x10080] =	vst v63  }
0x24: {  	_ = 	snop  }
0x25: {  	[tilespmem:s22], [sflag:$0x1] =	stream.indirect_vreg.gather [hbm4b:s6+s2], $0x80, v4, vm0, $0xb8;
	[tilespmem:$0x10080] =	vst v63  }
0x26: {  	_ = 	snop  }
0x27: {  	[tilespmem:s23], [sflag:$0x1] =	stream.indirect_vreg.gather [hbm4b:s3+s2], $0x80, v3, vm0, $0xb8;
	[tilespmem:$0x10080] =	vst v63  }
0x28: {  	_ = 	snop  }
0x29: {  	[tilespmem:s24], [sflag:$0x1] =	stream.indirect_vreg.gather [hbm4b:s4+s2], $0x80, v3, vm0, $0xb8;
	[tilespmem:$0x10080] =	vst v63  }
0x2a: {  	_ = 	snop  }
0x2b: {  	[tilespmem:s25], [sflag:$0x1] =	stream.indirect_vreg.gather [hbm4b:s5+s2], $0x80, v3, vm0, $0xb8;
	[tilespmem:$0x10080] =	vst v63  }
0x2c: {  	_ = 	snop  }
0x2d: {  	[tilespmem:s26], [sflag:$0x1] =	stream.indirect_vreg.gather [hbm4b:s6+s2], $0x80, v3, vm0, $0xb8;
	[tilespmem:$0x10080] =	vst v63  }
0x2e: {  	v3 =	vld [tilespmem:$0x10];
	_ =	sdelay $0x4  }
0x2f: {  	v57 =	vshll.u32 v3, $0x3  }
0x30: {  	v3 =	vand.u32 $0x7, v3;
	v4 =	vand.u32 $0xFFFFFFC0, v57  }
0x31: {  	v3 =	vor.u32 v3, v4  }
0x32: {  	v4 =	vperm.xlane v3, v0;
	_ =	sdelay $0x1  }
0x33: {  	v4 =	vadd.s32 v1, v4;
	_ =	sdelay $0x4  }
0x34: {  	[tilespmem:s28], [sflag:$0x1] =	stream.indirect_vreg.gather [hbm4b:s3+s2], $0x80, v4, vm0, $0xb8;
	[tilespmem:$0x10080] =	vst v63  }
0x35: {  	v3 =	vperm.xlane v3, v2  }
0x36: {  	[tilespmem:s29], [sflag:$0x1] =	stream.indirect_vreg.gather [hbm4b:s4+s2], $0x80, v4, vm0, $0xb8;
	[tilespmem:$0x10080] =	vst v63  }
0x37: {  	v3 =	vadd.s32 v1, v3  }
0x38: {  	[tilespmem:s30], [sflag:$0x1] =	stream.indirect_vreg.gather [hbm4b:s5+s2], $0x80, v4, vm0, $0xb8;
	[tilespmem:$0x10080] =	vst v63  }
0x39: {  	_ = 	snop  }
0x3a: {  	[tilespmem:s31], [sflag:$0x1] =	stream.indirect_vreg.gather [hbm4b:s6+s2], $0x80, v4, vm0, $0xb8;
	[tilespmem:$0x10080] =	vst v63  }
0x3b: {  	s1 =	simm.s32 $0x6080  }
0x3c: {  	[tilespmem:s1], [sflag:$0x1] =	stream.indirect_vreg.gather [hbm4b:s3+s2], $0x80, v3, vm0, $0xb8;
	[tilespmem:$0x10080] =	vst v63  }
0x3d: {  	s1 =	simm.s32 $0x6880  }
0x3e: {  	[tilespmem:s1], [sflag:$0x1] =	stream.indirect_vreg.gather [hbm4b:s4+s2], $0x80, v3, vm0, $0xb8;
	[tilespmem:$0x10080] =	vst v63  }
0x3f: {  	_ = 	snop  }
0x40: {  	[tilespmem:s10], [sflag:$0x1] =	stream.indirect_vreg.gather [hbm4b:s5+s2], $0x80, v3, vm0, $0xb8;
	[tilespmem:$0x10080] =	vst v63  }
0x41: {  	_ = 	snop  }
0x42: {  	[tilespmem:s11], [sflag:$0x1] =	stream.indirect_vreg.gather [hbm4b:s6+s2], $0x80, v3, vm0, $0xb8;
	[tilespmem:$0x10080] =	vst v63  }
0x43: {  	v3 =	vld [tilespmem:$0x20];
	_ =	sdelay $0x4  }
0x44: {  	v58 =	vshll.u32 v3, $0x3  }
0x45: {  	v3 =	vand.u32 $0x7, v3;
	v4 =	vand.u32 $0xFFFFFFC0, v58  }
0x46: {  	v3 =	vor.u32 v3, v4  }
0x47: {  	v4 =	vperm.xlane v3, v0;
	_ =	sdelay $0x1  }
0x48: {  	v4 =	vadd.s32 v1, v4;
	_ =	sdelay $0x4  }
0x49: {  	[tilespmem:s12], [sflag:$0x1] =	stream.indirect_vreg.gather [hbm4b:s3+s2], $0x80, v4, vm0, $0xb8;
	[tilespmem:$0x10080] =	vst v63  }
0x4a: {  	v3 =	vperm.xlane v3, v2  }
0x4b: {  	[tilespmem:s13], [sflag:$0x1] =	stream.indirect_vreg.gather [hbm4b:s4+s2], $0x80, v4, vm0, $0xb8;
	[tilespmem:$0x10080] =	vst v63  }
0x4c: {  	v3 =	vadd.s32 v1, v3  }
0x4d: {  	[tilespmem:s14], [sflag:$0x1] =	stream.indirect_vreg.gather [hbm4b:s5+s2], $0x80, v4, vm0, $0xb8;
	[tilespmem:$0x10080] =	vst v63  }
0x4e: {  	_ = 	snop  }
0x4f: {  	[tilespmem:s15], [sflag:$0x1] =	stream.indirect_vreg.gather [hbm4b:s6+s2], $0x80, v4, vm0, $0xb8;
	[tilespmem:$0x10080] =	vst v63  }
0x50: {  	_ = 	snop  }
0x51: {  	[tilespmem:s16], [sflag:$0x1] =	stream.indirect_vreg.gather [hbm4b:s3+s2], $0x80, v3, vm0, $0xb8;
	[tilespmem:$0x10080] =	vst v63  }
0x52: {  	_ = 	snop  }
0x53: {  	[tilespmem:s17], [sflag:$0x1] =	stream.indirect_vreg.gather [hbm4b:s4+s2], $0x80, v3, vm0, $0xb8;
	[tilespmem:$0x10080] =	vst v63  }
0x54: {  	_ = 	snop  }
0x55: {  	[tilespmem:s9], [sflag:$0x1] =	stream.indirect_vreg.gather [hbm4b:s5+s2], $0x80, v3, vm0, $0xb8;
	[tilespmem:$0x10080] =	vst v63  }
0x56: {  	s19 =	simm.s32 $0xB880  }
0x57: {  	[tilespmem:s19], [sflag:$0x1] =	stream.indirect_vreg.gather [hbm4b:s6+s2], $0x80, v3, vm0, $0xb8;
	[tilespmem:$0x10080] =	vst v63  }
0x58: {  	v3 =	vld [tilespmem:$0x30];
	_ =	sdelay $0x4  }
0x59: {  	v59 =	vshll.u32 v3, $0x3  }
0x5a: {  	v3 =	vand.u32 $0x7, v3;
	v4 =	vand.u32 $0xFFFFFFC0, v59  }
0x5b: {  	v3 =	vor.u32 v3, v4  }
0x5c: {  	v4 =	vperm.xlane v3, v0;
	_ =	sdelay $0x1  }
0x5d: {  	v4 =	vadd.s32 v1, v4;
	_ =	sdelay $0x3  }
0x5e: {  	s19 =	simm.s32 $0xC080  }
0x5f: {  	[tilespmem:s19], [sflag:$0x1] =	stream.indirect_vreg.gather [hbm4b:s3+s2], $0x80, v4, vm0, $0xb8;
	[tilespmem:$0x10080] =	vst v63  }
0x60: {  	v3 =	vperm.xlane v3, v2;
	s19 =	simm.s32 $0xC880  }
0x61: {  	[tilespmem:s19], [sflag:$0x1] =	stream.indirect_vreg.gather [hbm4b:s4+s2], $0x80, v4, vm0, $0xb8;
	[tilespmem:$0x10080] =	vst v63  }
0x62: {  	v3 =	vadd.s32 v1, v3;
	s19 =	simm.s32 $0xD080  }
0x63: {  	[tilespmem:s19], [sflag:$0x1] =	stream.indirect_vreg.gather [hbm4b:s5+s2], $0x80, v4, vm0, $0xb8;
	[tilespmem:$0x10080] =	vst v63  }
0x64: {  	s19 =	simm.s32 $0xD880  }
0x65: {  	[tilespmem:s19], [sflag:$0x1] =	stream.indirect_vreg.gather [hbm4b:s6+s2], $0x80, v4, vm0, $0xb8;
	[tilespmem:$0x10080] =	vst v63  }
0x66: {  	s19 =	simm.s32 $0xE080  }
0x67: {  	[tilespmem:s19], [sflag:$0x1] =	stream.indirect_vreg.gather [hbm4b:s3+s2], $0x80, v3, vm0, $0xb8;
	[tilespmem:$0x10080] =	vst v63  }
0x68: {  	s19 =	simm.s32 $0xE880  }
0x69: {  	[tilespmem:s19], [sflag:$0x1] =	stream.indirect_vreg.gather [hbm4b:s4+s2], $0x80, v3, vm0, $0xb8;
	[tilespmem:$0x10080] =	vst v63  }
0x6a: {  	s19 =	simm.s32 $0xF080  }
0x6b: {  	[tilespmem:s19], [sflag:$0x1] =	stream.indirect_vreg.gather [hbm4b:s5+s2], $0x80, v3, vm0, $0xb8;
	[tilespmem:$0x10080] =	vst v63  }
0x6c: {  	s19 =	simm.s32 $0xF880  }
0x6d: {  	[tilespmem:s19], [sflag:$0x1] =	stream.indirect_vreg.gather [hbm4b:s6+s2], $0x80, v3, vm0, $0xb8;
	[tilespmem:$0x10080] =	vst v63  }
0x6e: {  	_ =	swait.ge [sflag:s18], $0x10000  }
0x6f: {  	[sflag:s18] =	ssyncset.done $0x0  }
0x70: {  	s19 =	rddreg [dreg:$0x4];
	[sflag:s18] =	ssyncadd.s32 $0xFFFF0000  }
0x71: {  	[hbm4b:s19+s2] =	stream.linear.scatter [tilespmem:s0], [sflag:$0x2], $0x10000, $0x38;
	[tilespmem:$0x10080] =	vst v63  }
0x72: {  	_ =	swait.ge [sflag:s8], $0x10000  }
0x73: {  	[sflag:s8] =	ssyncset.done $0x0  }
0x74: {  	s19 =	rddreg [dreg:$0x5];
	[sflag:s8] =	ssyncadd.s32 $0xFFFF0000  }
0x75: {  	[tilespmem:s2], [sflag:$0x2] =	stream.linear.gather [hbm4b:s19+s2], $0x40, $0x38;
	[tilespmem:$0x10080] =	vst v63  }
0x76: {  	_ =	swait.ge [sflag:s8], $0x40  }
0x77: {  	[sflag:s8] =	ssyncset.done $0x0  }
0x78: {  	[sflag:s8] =	ssyncadd.s32 $0xFFFFFFC0  }
0x79: {  	v3 =	vld [tilespmem:$0x0];
	_ =	sdelay $0x4  }
0x7a: {  	v60 =	vshll.u32 v3, $0x3  }
0x7b: {  	v3 =	vand.u32 $0x7, v3;
	v4 =	vand.u32 $0xFFFFFFC0, v60  }
0x7c: {  	v3 =	vor.u32 v3, v4  }
0x7d: {  	v4 =	vperm.xlane v3, v0;
	_ =	sdelay $0x1  }
0x7e: {  	v4 =	vadd.s32 v1, v4;
	_ =	sdelay $0x4  }
0x7f: {  	[tilespmem:s0], [sflag:$0x1] =	stream.indirect_vreg.gather [hbm4b:s3+s2], $0x80, v4, vm0, $0xb8;
	[tilespmem:$0x10080] =	vst v63  }
0x80: {  	v3 =	vperm.xlane v3, v2  }
0x81: {  	[tilespmem:s20], [sflag:$0x1] =	stream.indirect_vreg.gather [hbm4b:s4+s2], $0x80, v4, vm0, $0xb8;
	[tilespmem:$0x10080] =	vst v63  }
0x82: {  	v3 =	vadd.s32 v1, v3  }
0x83: {  	[tilespmem:s21], [sflag:$0x1] =	stream.indirect_vreg.gather [hbm4b:s5+s2], $0x80, v4, vm0, $0xb8;
	[tilespmem:$0x10080] =	vst v63  }
0x84: {  	_ = 	snop  }
0x85: {  	[tilespmem:s22], [sflag:$0x1] =	stream.indirect_vreg.gather [hbm4b:s6+s2], $0x80, v4, vm0, $0xb8;
	[tilespmem:$0x10080] =	vst v63  }
0x86: {  	_ = 	snop  }
0x87: {  	[tilespmem:s23], [sflag:$0x1] =	stream.indirect_vreg.gather [hbm4b:s3+s2], $0x80, v3, vm0, $0xb8;
	[tilespmem:$0x10080] =	vst v63  }
0x88: {  	_ = 	snop  }
0x89: {  	[tilespmem:s24], [sflag:$0x1] =	stream.indirect_vreg.gather [hbm4b:s4+s2], $0x80, v3, vm0, $0xb8;
	[tilespmem:$0x10080] =	vst v63  }
0x8a: {  	_ = 	snop  }
0x8b: {  	[tilespmem:s25], [sflag:$0x1] =	stream.indirect_vreg.gather [hbm4b:s5+s2], $0x80, v3, vm0, $0xb8;
	[tilespmem:$0x10080] =	vst v63  }
0x8c: {  	_ = 	snop  }
0x8d: {  	[tilespmem:s26], [sflag:$0x1] =	stream.indirect_vreg.gather [hbm4b:s6+s2], $0x80, v3, vm0, $0xb8;
	[tilespmem:$0x10080] =	vst v63  }
0x8e: {  	v3 =	vld [tilespmem:$0x10];
	_ =	sdelay $0x4  }
0x8f: {  	v61 =	vshll.u32 v3, $0x3  }
0x90: {  	v3 =	vand.u32 $0x7, v3;
	v4 =	vand.u32 $0xFFFFFFC0, v61  }
0x91: {  	v3 =	vor.u32 v3, v4  }
0x92: {  	v4 =	vperm.xlane v3, v0;
	_ =	sdelay $0x1  }
0x93: {  	v4 =	vadd.s32 v1, v4;
	_ =	sdelay $0x4  }
0x94: {  	[tilespmem:s28], [sflag:$0x1] =	stream.indirect_vreg.gather [hbm4b:s3+s2], $0x80, v4, vm0, $0xb8;
	[tilespmem:$0x10080] =	vst v63  }
0x95: {  	v3 =	vperm.xlane v3, v2  }
0x96: {  	[tilespmem:s29], [sflag:$0x1] =	stream.indirect_vreg.gather [hbm4b:s4+s2], $0x80, v4, vm0, $0xb8;
	[tilespmem:$0x10080] =	vst v63  }
0x97: {  	v3 =	vadd.s32 v1, v3  }
0x98: {  	[tilespmem:s30], [sflag:$0x1] =	stream.indirect_vreg.gather [hbm4b:s5+s2], $0x80, v4, vm0, $0xb8;
	[tilespmem:$0x10080] =	vst v63  }
0x99: {  	_ = 	snop  }
0x9a: {  	[tilespmem:s31], [sflag:$0x1] =	stream.indirect_vreg.gather [hbm4b:s6+s2], $0x80, v4, vm0, $0xb8;
	[tilespmem:$0x10080] =	vst v63  }
0x9b: {  	s19 =	simm.s32 $0x6080  }
0x9c: {  	[tilespmem:s19], [sflag:$0x1] =	stream.indirect_vreg.gather [hbm4b:s3+s2], $0x80, v3, vm0, $0xb8;
	[tilespmem:$0x10080] =	vst v63  }
0x9d: {  	_ = 	snop  }
0x9e: {  	[tilespmem:s1], [sflag:$0x1] =	stream.indirect_vreg.gather [hbm4b:s4+s2], $0x80, v3, vm0, $0xb8;
	[tilespmem:$0x10080] =	vst v63  }
0x9f: {  	_ = 	snop  }
0xa0: {  	[tilespmem:s10], [sflag:$0x1] =	stream.indirect_vreg.gather [hbm4b:s5+s2], $0x80, v3, vm0, $0xb8;
	[tilespmem:$0x10080] =	vst v63  }
0xa1: {  	_ = 	snop  }
0xa2: {  	[tilespmem:s11], [sflag:$0x1] =	stream.indirect_vreg.gather [hbm4b:s6+s2], $0x80, v3, vm0, $0xb8;
	[tilespmem:$0x10080] =	vst v63  }
0xa3: {  	v3 =	vld [tilespmem:$0x20];
	_ =	sdelay $0x4  }
0xa4: {  	v62 =	vshll.u32 v3, $0x3  }
0xa5: {  	v3 =	vand.u32 $0x7, v3;
	v4 =	vand.u32 $0xFFFFFFC0, v62  }
0xa6: {  	v3 =	vor.u32 v3, v4  }
0xa7: {  	v4 =	vperm.xlane v3, v0;
	_ =	sdelay $0x1  }
0xa8: {  	v4 =	vadd.s32 v1, v4;
	_ =	sdelay $0x4  }
0xa9: {  	[tilespmem:s12], [sflag:$0x1] =	stream.indirect_vreg.gather [hbm4b:s3+s2], $0x80, v4, vm0, $0xb8;
	[tilespmem:$0x10080] =	vst v63  }
0xaa: {  	v3 =	vperm.xlane v3, v2  }
0xab: {  	[tilespmem:s13], [sflag:$0x1] =	stream.indirect_vreg.gather [hbm4b:s4+s2], $0x80, v4, vm0, $0xb8;
	[tilespmem:$0x10080] =	vst v63  }
0xac: {  	v3 =	vadd.s32 v1, v3  }
0xad: {  	[tilespmem:s14], [sflag:$0x1] =	stream.indirect_vreg.gather [hbm4b:s5+s2], $0x80, v4, vm0, $0xb8;
	[tilespmem:$0x10080] =	vst v63  }
0xae: {  	_ = 	snop  }
0xaf: {  	[tilespmem:s15], [sflag:$0x1] =	stream.indirect_vreg.gather [hbm4b:s6+s2], $0x80, v4, vm0, $0xb8;
	[tilespmem:$0x10080] =	vst v63  }
0xb0: {  	_ = 	snop  }
0xb1: {  	[tilespmem:s16], [sflag:$0x1] =	stream.indirect_vreg.gather [hbm4b:s3+s2], $0x80, v3, vm0, $0xb8;
	[tilespmem:$0x10080] =	vst v63  }
0xb2: {  	_ = 	snop  }
0xb3: {  	[tilespmem:s17], [sflag:$0x1] =	stream.indirect_vreg.gather [hbm4b:s4+s2], $0x80, v3, vm0, $0xb8;
	[tilespmem:$0x10080] =	vst v63  }
0xb4: {  	_ = 	snop  }
0xb5: {  	[tilespmem:s9], [sflag:$0x1] =	stream.indirect_vreg.gather [hbm4b:s5+s2], $0x80, v3, vm0, $0xb8;
	[tilespmem:$0x10080] =	vst v63  }
0xb6: {  	s19 =	simm.s32 $0xB880  }
0xb7: {  	[tilespmem:s19], [sflag:$0x1] =	stream.indirect_vreg.gather [hbm4b:s6+s2], $0x80, v3, vm0, $0xb8;
	[tilespmem:$0x10080] =	vst v63  }
0xb8: {  	v3 =	vld [tilespmem:$0x30];
	_ =	sdelay $0x4  }
0xb9: {  	v63 =	vshll.u32 v3, $0x3  }
0xba: {  	v3 =	vand.u32 $0x7, v3;
	v4 =	vand.u32 $0xFFFFFFC0, v63  }
0xbb: {  	v3 =	vor.u32 v3, v4  }
0xbc: {  	v4 =	vperm.xlane v3, v0;
	_ =	sdelay $0x1  }
0xbd: {  	v4 =	vadd.s32 v1, v4;
	_ =	sdelay $0x3  }
0xbe: {  	s19 =	simm.s32 $0xC080  }
0xbf: {  	[tilespmem:s19], [sflag:$0x1] =	stream.indirect_vreg.gather [hbm4b:s3+s2], $0x80, v4, vm0, $0xb8;
	[tilespmem:$0x10080] =	vst v63  }
0xc0: {  	v3 =	vperm.xlane v3, v2;
	s19 =	simm.s32 $0xC880  }
0xc1: {  	[tilespmem:s19], [sflag:$0x1] =	stream.indirect_vreg.gather [hbm4b:s4+s2], $0x80, v4, vm0, $0xb8;
	[tilespmem:$0x10080] =	vst v63  }
0xc2: {  	v3 =	vadd.s32 v1, v3;
	s19 =	simm.s32 $0xD080  }
0xc3: {  	[tilespmem:s19], [sflag:$0x1] =	stream.indirect_vreg.gather [hbm4b:s5+s2], $0x80, v4, vm0, $0xb8;
	[tilespmem:$0x10080] =	vst v63  }
0xc4: {  	s19 =	simm.s32 $0xD880  }
0xc5: {  	[tilespmem:s19], [sflag:$0x1] =	stream.indirect_vreg.gather [hbm4b:s6+s2], $0x80, v4, vm0, $0xb8;
	[tilespmem:$0x10080] =	vst v63  }
0xc6: {  	s19 =	simm.s32 $0xE080  }
0xc7: {  	[tilespmem:s19], [sflag:$0x1] =	stream.indirect_vreg.gather [hbm4b:s3+s2], $0x80, v3, vm0, $0xb8;
	[tilespmem:$0x10080] =	vst v63  }
0xc8: {  	s19 =	simm.s32 $0xE880  }
0xc9: {  	[tilespmem:s19], [sflag:$0x1] =	stream.indirect_vreg.gather [hbm4b:s4+s2], $0x80, v3, vm0, $0xb8;
	[tilespmem:$0x10080] =	vst v63  }
0xca: {  	s19 =	simm.s32 $0xF080  }
0xcb: {  	[tilespmem:s19], [sflag:$0x1] =	stream.indirect_vreg.gather [hbm4b:s5+s2], $0x80, v3, vm0, $0xb8;
	[tilespmem:$0x10080] =	vst v63  }
0xcc: {  	s19 =	simm.s32 $0xF880  }
0xcd: {  	[tilespmem:s19], [sflag:$0x1] =	stream.indirect_vreg.gather [hbm4b:s6+s2], $0x80, v3, vm0, $0xb8;
	[tilespmem:$0x10080] =	vst v63  }
0xce: {  	_ =	swait.ge [sflag:s18], $0x10000  }
0xcf: {  	p0 =	sne.s32 s7, $0x1;
	[sflag:s18] =	ssyncset.done $0x0  }
.Ltmp0:
0xd0: {  	s1 =	rddreg [dreg:$0x6];
	[sflag:s18] =	ssyncadd.s32 $0xFFFF0000;
	(pc) =	sbr.rel @p0 .LBB2_1-.Ltmp0, $4  }
0xd1: {  	[hbm4b:s1+s2] =	stream.linear.scatter [tilespmem:s0], [sflag:$0x2], $0x10000, $0x38;
	[tilespmem:$0x10080] =	vst v63  }
0xd2: {  	_ =	swait.ge [sflag:s8], $0x10000  }
0xd3: {  	[sflag:s8] =	ssyncset.done $0x0  }
0xd4: {  	s7 =	sadd.s32 $0xFFFFFFFF, s7;
	[sflag:s8] =	ssyncadd.s32 $0xFFFF0000  }
0xd5: {  	_ =	sfence.sel $0x180000  }
0xd6: {  	[bflag:$0x0] =	sbarrier.arrive $0xFFFF  }
0xd7: {  	_ =	strace $0x9000004A  }
0xd8: {  	s0 =	stileid.u32;
	[bflag:$0x2] =	sbarrier.arrive $0xFFFF  }
0xd9: {  	p0 =	sne.s32 s0, $0x0;
	s0 =	rddreg [dreg:$0x2]  }
0xda: {  	s0 =	sadd.s32 @!p0 $0x100000, s0  }
0xdb: {  	[sflag:s0] =	ssyncadd.tile.s32 @!p0 $0x1;
	_ =	shalt  }
.Lfunc_end2:
_tile_overlayer_lowered:
.L_overlay_start_2:
0xdc: {  	(tag) =	ssettag $0x2  }
0xdd: {  	s0 =	rddreg [dreg:$0x0];
	s2 =	stileid.u32  }
0xde: {  	s1 =	rddreg [dreg:$0x1];
	p0 =	sne.s32 s2, $0x0  }
0xdf: {  	s3 =	rddreg [dreg:$0x2];
	[bflag:$0x3] =	sbarrier.arrive $0xFFFF;
	s2 =	simm.s32 @!p0 $0x1C02  }
0xe0: {  	[timem:s3], [sflag:s2] =	dma.local @!p0 [hbm:s0], s1  }
0xe1: {  	s0 =	simm.s32 @!p0 $0x2  }
0xe2: {  	_ =	swait.ge @!p0 [sflag:s0], s1  }
0xe3: {  	s1 =	ssub.s32 @!p0 $0x0, s1;
	[sflag:s0] =	ssyncset.done @!p0 $0x0  }
0xe4: {  	[sflag:s0] =	ssyncadd.s32 @!p0 s1  }
0xe5: {  	[bflag:$0x3] =	sbarrier.arrive $0xFFFF  }
0xe6: {  	_ =	shalt  }

// kernel: kernel.8.cloned.1.call-start
scs
__scs_entry_jumppad:
0x0: {  	(pc) =	sbr.rel $0x88, $3  }
0x1: {  	(tag) =	ssettag $0x0;
	lr =	simm.s32 $0x1  }
0x2: {  	[smem:$0x3F9B] =	sst lr;
	_ =	strace $0xD0000000  }
0x3: {  	_ = 	snop  }
0x4: {  	_ = 	snop  }
0x5: {  	_ = 	snop  }
0x6: {  	_ = 	snop  }
0x7: {  	_ = 	snop  }
__scs_overlays_trampoline_lowered:
0x8: {  	[smem:$0x3FAA] =	sst s0  }
0x9: {  	[smem:$0x3FAB] =	sst s1  }
0xa: {  	[smem:$0x3FAC] =	sst s2  }
0xb: {  	[smem:$0x3FAD] =	sst s3  }
0xc: {  	[smem:$0x3FAE] =	sst s4  }
0xd: {  	[smem:$0x3FAF] =	sst s5  }
0xe: {  	[smem:$0x3FB0] =	sst s6  }
0xf: {  	[smem:$0x3FB1] =	sst s7  }
0x10: {  	[smem:$0x3FB2] =	sst s8  }
0x11: {  	[smem:$0x3FB3] =	sst s9;
	s0 =	simm.s32 @!p0 $0x0  }
0x12: {  	s1 =	sld [smem:$0x3F99];
	s0 =	simm.s32 @p0 $0x1  }
0x13: {  	[smem:$0x3FB4] =	sst s0;
	s0 =	simm.s32 @!p1 $0x0  }
0x14: {  	s2 =	sld [smem:$0x3F98];
	s0 =	simm.s32 @p1 $0x1  }
0x15: {  	[smem:$0x3FB5] =	sst s0;
	s0 =	simm.s32 @!p2 $0x0  }
0x16: {  	s3 =	sld [smem:$0x3FDB];
	s0 =	simm.s32 @p2 $0x1  }
0x17: {  	s4 =	simm.s32 $0x1BF5;
	[smem:$0x3FB7] =	sst s0  }
0x18: {  	s0 =	sld [smem:$0x3F9A];
	_ =	swait.ge [sflag:s4], $0x0  }
0x19: {  	s7 =	sld [smem:$0x3F9B]  }
0x1a: {  	s8 =	sadd.s32 $0xFFFFE003, lr  }
0x1b: {  	s9 =	sadd.s32 $0xFFFFFEF7, lr;
	s5 =	simm.s32 $0xFFFFFFFF;
	p2 =	slt.u32 s8, $0xFFFFF086  }
0x1c: {  	p1 =	slt.u32 s9, $0xF7A;
	s5 =	simm.s32 @!p2 $0x0  }
0x1d: {  	s5 =	simm.s32 @p1 $0x1;
	p0 =	seq.s32 s7, s2  }
0x1e: {  	s7 =	smul.u32 @!p0 $0xF7A, s2;
	p2 =	seq.s32 @!p0 s5, $0x0  }
0x1f: {  	s9 =	smul.u32 $0xF7A, s1;
	s8 =	simm.s32 @!p0 $0x1BF5;
	p2 =	por !p2, p0  }
0x20: {  	[sflag:s8] =	ssyncset.s32 @!p0 $0xFFFFF086;
	s6 =	sadd.s32 @!p0 s3, s7;
	s7 =	simm.s32 @!p0 $0x108  }
0x21: {  	s3 =	sadd.s32 s3, s9;
	s6 =	sadd.s32 @!p0 $0x88, s6;
	s7 =	simm.s32 @p2 $0x1082  }
0x22: {  	[simem:s7], [sflag:s8] =	dma.local @!p0 [hbm:s6], $0xF7A  }
0x23: {  	s9 =	sor.u32 $0xD0000000, s2;
	s6 =	simm.s32 $0x108;
	_ =	swait.ge @!p0 [sflag:s8], $0x0  }
0x24: {  	s3 =	sadd.s32 $0x88, s3;
	s6 =	simm.s32 @!p1 $0x1082;
	[sflag:s4] =	ssyncset.s32 $0xFFFFF086  }
0x25: {  	[simem:s6], [sflag:s4] =	dma.local [hbm:s3], $0xF7A  }
0x26: {  	[smem:$0x3F9B] =	sst s1;
	(tag) =	ssettag s2;
	_ =	strace s9  }
0x27: {  	s1 =	sld [smem:$0x3FAB]  }
0x28: {  	s2 =	sld [smem:$0x3FAC]  }
0x29: {  	s4 =	sld [smem:$0x3FAE]  }
0x2a: {  	p0 =	seq.s32 s5, $0x0;
	s5 =	sld [smem:$0x3FAF]  }
0x2b: {  	s6 =	sld [smem:$0x3FB0]  }
0x2c: {  	s7 =	sld [smem:$0x3FB1]  }
0x2d: {  	s3 =	simm.s32 $0x108;
	s8 =	sld [smem:$0x3FB2]  }
0x2e: {  	s3 =	simm.s32 @!p0 $0x1082;
	s9 =	sld [smem:$0x3FB3]  }
0x2f: {  	lr =	sadd.s32 s0, s3;
	s0 =	sld [smem:$0x3FAA]  }
0x30: {  	s3 =	sld [smem:$0x3FAD]  }
0x31: {  	[smem:$0x3FB6] =	sst s10  }
0x32: {  	s10 =	sld [smem:$0x3FB4];
	_ =	sdelay $0x3  }
0x33: {  	p0 =	seq.s32 s10, $0x1;
	s10 =	sld [smem:$0x3FB6];
	_ =	sdelay $0x3  }
0x34: {  	[smem:$0x3FB6] =	sst s10  }
0x35: {  	s10 =	sld [smem:$0x3FB5];
	_ =	sdelay $0x3  }
0x36: {  	p1 =	seq.s32 s10, $0x1;
	s10 =	sld [smem:$0x3FB6];
	_ =	sdelay $0x3  }
0x37: {  	[smem:$0x3FB6] =	sst s10  }
0x38: {  	s10 =	sld [smem:$0x3FB7]  }
0x39: {  	_ = 	snop;
	(pc) =	sbr.ind lr, $3  }
0x3a: {  	_ = 	snop  }
0x3b: {  	_ = 	snop  }
0x3c: {  	p2 =	seq.s32 s10, $0x1;
	s10 =	sld [smem:$0x3FB6]  }
0x3d: {  	_ =	shalt  }
0x3e: {  	_ =	shalt  }
0x3f: {  	_ =	shalt  }
0x40: {  	_ =	shalt  }
0x41: {  	_ =	shalt  }
0x42: {  	_ =	shalt  }
0x43: {  	_ =	shalt  }
0x44: {  	_ =	shalt  }
0x45: {  	_ =	shalt  }
0x46: {  	_ =	shalt  }
0x47: {  	_ =	shalt  }
0x48: {  	_ =	shalt  }
0x49: {  	_ =	shalt  }
0x4a: {  	_ =	shalt  }
0x4b: {  	_ =	shalt  }
0x4c: {  	_ =	shalt  }
0x4d: {  	_ =	shalt  }
0x4e: {  	_ =	shalt  }
0x4f: {  	_ =	shalt  }
0x50: {  	_ =	shalt  }
0x51: {  	_ =	shalt  }
0x52: {  	_ =	shalt  }
0x53: {  	_ =	shalt  }
0x54: {  	_ =	shalt  }
0x55: {  	_ =	shalt  }
0x56: {  	_ =	shalt  }
0x57: {  	_ =	shalt  }
0x58: {  	_ =	shalt  }
0x59: {  	_ =	shalt  }
0x5a: {  	_ =	shalt  }
0x5b: {  	_ =	shalt  }
0x5c: {  	_ =	shalt  }
0x5d: {  	_ =	shalt  }
0x5e: {  	_ =	shalt  }
0x5f: {  	_ =	shalt  }
0x60: {  	_ =	shalt  }
0x61: {  	_ =	shalt  }
0x62: {  	_ =	shalt  }
0x63: {  	_ =	shalt  }
0x64: {  	_ =	shalt  }
0x65: {  	_ =	shalt  }
0x66: {  	_ =	shalt  }
0x67: {  	_ =	shalt  }
0x68: {  	_ =	shalt  }
0x69: {  	_ =	shalt  }
0x6a: {  	_ =	shalt  }
0x6b: {  	_ =	shalt  }
0x6c: {  	_ =	shalt  }
0x6d: {  	_ =	shalt  }
0x6e: {  	_ =	shalt  }
0x6f: {  	_ =	shalt  }
0x70: {  	_ =	shalt  }
0x71: {  	_ =	shalt  }
0x72: {  	_ =	shalt  }
0x73: {  	_ =	shalt  }
0x74: {  	_ =	shalt  }
0x75: {  	_ =	shalt  }
0x76: {  	_ =	shalt  }
0x77: {  	_ =	shalt  }
0x78: {  	_ =	shalt  }
0x79: {  	_ =	shalt  }
0x7a: {  	_ =	shalt  }
0x7b: {  	_ =	shalt  }
0x7c: {  	_ =	shalt  }
0x7d: {  	_ =	shalt  }
0x7e: {  	_ =	shalt  }
0x7f: {  	_ =	shalt  }
0x80: {  	_ =	shalt  }
0x81: {  	_ =	shalt  }
0x82: {  	_ =	shalt  }
0x83: {  	_ =	shalt  }
0x84: {  	_ =	shalt  }
0x85: {  	_ =	shalt  }
0x86: {  	_ =	shalt  }
0x87: {  	_ =	shalt  }
.Lfunc_end0:
.L_simem_size_0:
called_computation_lowered:
.L_overlay_start_0:
0x88: {  	s2 =	sld [smem:$0x3FD9]  }
0x89: {  	s3 =	sld [smem:$0x3FFE];
	_ =	sdelay $0x1  }
0x8a: {  	s1 =	srdreg.scid  }
0x8b: {  	s0 =	sand.u32 $0x1, s1  }
0x8c: {  	s17 =	sshll.u32 s0, $0xA;
	s2 =	sadd.s32 s3, s2  }
0x8d: {  	s2 =	sadd.s32 s2, s17  }
0x8e: {  	[smem:$0x3FC2] =	sst s2  }
0x8f: {  	_ = 	snop  }
0x90: {  	s2 =	sld [smem:$0x3FC9]  }
0x91: {  	s18 =	sld [smem:$0x3FD0];
	(tm) =	ssettm $0x1  }
0x92: {  	s4 =	sld [smem:$0x3FFB];
	_ =	sdelay $0x3  }
0x93: {  	_ =	strace s4  }
0x94: {  	s4 =	sld [smem:$0x3FFC];
	_ =	sdelay $0x3  }
0x95: {  	_ =	strace s4  }
0x96: {  	s4 =	sld [smem:$0x3FFD];
	_ =	sdelay $0x3  }
0x97: {  	_ =	strace s4  }
0x98: {  	_ =	strace $0x8FFFFFFF  }
0x99: {  	s19 =	sld [smem:$0x3FDB];
	_ =	sdelay $0x1  }
0x9a: {  	s5 =	simm.s32 $_scs_section_size  }
0x9b: {  	s6 =	simm.s32 $_size__tile_overlayer_lowered;
	s7 =	simm.s32 $_tile_overlayer_lowered  }
0x9c: {  	s22 =	simm.s32 $0x1BFF;
	s21 =	sshll.u32 s7, $0x1;
	s4 =	sadd.s32 s5, s19  }
0x9d: {  	s8 =	simm.s32 $0x0;
	s20 =	sshll.u32 s6, $0x1;
	s6 =	sadd.s32 s21, s4  }
0x9e: {  	[timem:s8], [sflag:s22] =	dma.local [hbm:s6], s20  }
0x9f: {  	_ =	swait.ge [sflag:s22], s20  }
0xa0: {  	s5 =	ssub.s32 $0x0, s20;
	[sflag:s22] =	ssyncset.done $0x0  }
0xa1: {  	[sflag:s22] =	ssyncadd.s32 s5;
	_ =	sdelay $0x1  }
0xa2: {  	s23 =	simm.s32 $0x1B8B  }
0xa3: {  	_ =	swait.ge [sflag:s23], $0x1  }
0xa4: {  	[sflag:s23] =	ssyncset.done $0x0  }
0xa5: {  	s25 =	simm.s32 $0x1B8E;
	s24 =	sld [smem:$0x3FFE];
	[sflag:s23] =	ssyncadd.s32 $0xFFFFFFFF  }
0xa6: {  	s26 =	simm.s32 $execute0_lowered;
	[smem:$0x3FD2] =	sst s25  }
0xa7: {  	s6 =	sshll.u32 s26, $0x1;
	_ =	strace $0x80000046;
	[dreg:$0x1] =	wrdreg $0xFFFFFFFF  }
0xa8: {  	s28 =	simm.s32 $_size_execute0_lowered;
	s4 =	sadd.s32 s4, s6;
	[dreg:$0x0] =	wrdreg $0x0  }
0xa9: {  	s6 =	sshll.u32 s28, $0x1;
	[dreg:$0x2] =	wrdreg s4  }
0xaa: {  	[dreg:$0x3] =	wrdreg s6  }
0xab: {  	[dreg:$0x4] =	wrdreg $0xC0  }
0xac: {  	_ =	task [dreg:s8], $0x5FFFF  }
0xad: {  	[dreg:$0x1] =	wrdreg $0xFFFFFFFF  }
0xae: {  	[dreg:$0x0] =	wrdreg $0x60  }
0xaf: {  	[dreg:$0x2] =	wrdreg s2  }
0xb0: {  	[dreg:$0x3] =	wrdreg s18  }
0xb1: {  	[dreg:$0x4] =	wrdreg s24  }
0xb2: {  	[dreg:$0x5] =	wrdreg $0x9  }
0xb3: {  	_ =	task.clear_ibuf [dreg:s8], $0x6FFFF;
	_ =	strace $0x90000046  }
0xb4: {  	s29 =	simm.s32 $0x9;
	_ =	strace $0x80000048  }
0xb5: {  	_ =	swait.ge [sflag:s29], $0x1  }
0xb6: {  	[sflag:s29] =	ssyncadd.s32 $0xFFFFFFFF  }
0xb7: {  	_ =	strace $0x90000048  }
0xb8: {  	_ =	sfence  }
0xb9: {  	s30 =	sld [smem:$0x0];
	_ =	sdelay $0x2  }
0xba: {  	s31 =	sshll.u32 s1, $0xD;
	s1 =	sshrl.u32 s1, $0x2  }
0xbb: {  	s3 =	sand.u32 $0x4000, s31;
	s1 =	sadd.s32 s1, s30  }
0xbc: {  	s0 =	sor.u32 s3, s0;
	s1 =	sshll.u32 s1, $0x11  }
0xbd: {  	s0 =	sor.u32 s1, s0  }
0xbe: {  	s0 =	sadd.s32 $0x8F2B, s0  }
0xbf: {  	[sflag:s0] =	ssyncadd.remote.s32 $0x1  }
0xc0: {  	_ =	sfence.sel $0xFFFF  }
0xc1: {  	[dreg:$0x0] =	wrdreg $0xFFFFFFFF;
	(pc) =	sbr.abs _section_cstart, $3  }
0xc2: {  	[dreg:$0x1] =	wrdreg $0xFFFFFFFF  }
0xc3: {  	_ =	task.clear_ibuf [dreg:s8], $0x2FFFF;
	_ =	strace $0x9FFFFFFF  }
0xc4: {  	(tm) =	ssettm $0x7FFFFFFF  }
0xc5: {  	_ =	shalt  }
tec
execute0_lowered:
.L_overlay_start_1:
0x0: {  	(tag) =	ssettag $0x1  }
0x1: {  	s0 =	rddreg [dreg:$0x0];
	s1 =	srdreg.scid  }
0x2: {  	s4 =	rddreg [dreg:$0x1];
	s2 =	stileid.u32  }
0x3: {  	s6 =	rddreg [dreg:$0x2];
	s26 =	simm.s32 $0x80;
	s18 =	simm.s32 $0x100  }
0x4: {  	s21 =	simm.s32 $0x1900;
	s22 =	simm.s32 $0x2100;
	s23 =	simm.s32 $0x2900  }
0x5: {  	s28 =	simm.s32 $0x4900;
	s29 =	simm.s32 $0x5100;
	s30 =	simm.s32 $0x5900  }
0x6: {  	s31 =	simm.s32 $0x6100;
	s10 =	simm.s32 $0x7900;
	s11 =	simm.s32 $0x8100  }
0x7: {  	s12 =	simm.s32 $0x8900;
	s13 =	simm.s32 $0x9100;
	s14 =	simm.s32 $0x9900  }
0x8: {  	s15 =	simm.s32 $0xA100;
	s16 =	simm.s32 $0xA900;
	s17 =	simm.s32 $0xB100  }
0x9: {  	s1 =	sand.u32 $0x1, s1;
	s3 =	sshll.u32 s2, $0x7;
	s2 =	simm.s32 $0x0  }
0xa: {  	s9 =	simm.s32 $0xB900;
	s5 =	sshll.u32 s1, $0x6;
	[smem:$0x7FF] =	sst s2  }
0xb: {  	s1 =	ssub.s32 $0x2, s1;
	s5 =	sor.u32 s5, s3;
	_ =	strace $0x80000047  }
0xc: {  	s3 =	sadd.s32 $0x1C00, s6;
	s25 =	sshrl.u32 s1, $0x1;
	[dreg:$0x7] =	wrdreg s26  }
0xd: {  	s26 =	simm.s32 $0x4100;
	s7 =	sshrl.u32 s5, $0x3;
	s5 =	sshll.u32 s5, $0x7  }
0xe: {  	s1 =	ssub.s32 s1, s25;
	s25 =	simm.s32 $0x3900;
	s8 =	sadd.s32 s7, s6  }
0xf: {  	s4 =	sadd.s32 s4, s7;
	s0 =	sadd.s32 s0, s5;
	s5 =	sadd.s32 $0x1E00, s6  }
0x10: {  	v2 =	vlaneseq.u32;
	s7 =	smax.u32 s1, $0x1;
	[dreg:$0x4] =	wrdreg s4;
	s24 =	sadd.s32 $0x1A00, s8  }
0x11: {  	vm0 =	vmmov $0xffff;
	v1 =	vshrl.u32 v2, $0x3;
	[dreg:$0x6] =	wrdreg s0;
	s4 =	sadd.s32 $0x1D00, s6;
	s6 =	sadd.s32 $0x1F00, s6  }
0x12: {  	v0 =	vand.u32 $0x7, v2;
	v2 =	vor.u32 $0x8, v2;
	v1 =	vmul.u32 $0x8, v1;
	s8 =	simm.s32 $0x2;
	[dreg:$0x5] =	wrdreg s24;
	s24 =	simm.s32 $0x3100  }
.LBB2_1:
0x13: {  	s19 =	rddreg [dreg:$0x4]  }
0x14: {  	[tilespmem:s2], [sflag:$0x2] =	stream.linear.gather [hbm4b:s19+s2], $0x40, $0x38;
	[tilespmem:$0x10100] =	vst v63  }
0x15: {  	_ =	swait.ge [sflag:s8], $0x40  }
0x16: {  	s0 =	rddreg [dreg:$0x5];
	[sflag:s8] =	ssyncset.done $0x0  }
0x17: {  	s20 =	rddreg [dreg:$0x7];
	[sflag:s8] =	ssyncadd.s32 $0xFFFFFFC0  }
0x18: {  	[tilespmem:s20], [sflag:$0x2] =	stream.linear.gather [hbm4b:s0+s2], $0x40, $0x38;
	[tilespmem:$0x10100] =	vst v63  }
0x19: {  	_ =	swait.ge [sflag:s8], $0x40  }
0x1a: {  	[sflag:s8] =	ssyncset.done $0x0  }
0x1b: {  	s1 =	rddreg [dreg:$0x6];
	[sflag:s8] =	ssyncadd.s32 $0xFFFFFFC0  }
0x1c: {  	[tilespmem:s18], [sflag:$0x2] =	stream.linear.gather [hbm4b:s1+s2], $0x10000, $0x38;
	[tilespmem:$0x10100] =	vst v63  }
0x1d: {  	_ =	swait.ge [sflag:s8], $0x10000  }
0x1e: {  	[sflag:s8] =	ssyncset.done $0x0  }
0x1f: {  	[sflag:s8] =	ssyncadd.s32 $0xFFFF0000  }
0x20: {  	v3 =	vld [tilespmem:$0x0];
	_ =	sdelay $0x4  }
0x21: {  	v4 =	vshll.u32 v3, $0x3  }
0x22: {  	v3 =	vand.u32 $0x7, v3;
	v4 =	vand.u32 $0xFFFFFFC0, v4  }
0x23: {  	v3 =	vor.u32 v3, v4  }
0x24: {  	v4 =	vperm.xlane v3, v0;
	_ =	sdelay $0x1  }
0x25: {  	v4 =	vadd.s32 v1, v4;
	_ =	sdelay $0x4  }
0x26: {  	[hbm4b:s3+s2] =	stream.indirect_vreg.scatter [tilespmem:s18], [sflag:$0x1], $0x80, v4, vm0, $0xb8;
	[tilespmem:$0x10100] =	vst v63  }
0x27: {  	s19 =	simm.s32 $0x900;
	v3 =	vperm.xlane v3, v2  }
0x28: {  	[hbm4b:s4+s2] =	stream.indirect_vreg.scatter [tilespmem:s19], [sflag:$0x1], $0x80, v4, vm0, $0xb8;
	[tilespmem:$0x10100] =	vst v63  }
0x29: {  	s20 =	simm.s32 $0x1100;
	v3 =	vadd.s32 v1, v3  }
0x2a: {  	[hbm4b:s5+s2] =	stream.indirect_vreg.scatter [tilespmem:s20], [sflag:$0x1], $0x80, v4, vm0, $0xb8;
	[tilespmem:$0x10100] =	vst v63  }
0x2b: {  	_ = 	snop  }
0x2c: {  	[hbm4b:s6+s2] =	stream.indirect_vreg.scatter [tilespmem:s21], [sflag:$0x1], $0x80, v4, vm0, $0xb8;
	[tilespmem:$0x10100] =	vst v63  }
0x2d: {  	_ = 	snop  }
0x2e: {  	[hbm4b:s3+s2] =	stream.indirect_vreg.scatter [tilespmem:s22], [sflag:$0x1], $0x80, v3, vm0, $0xb8;
	[tilespmem:$0x10100] =	vst v63  }
0x2f: {  	_ = 	snop  }
0x30: {  	[hbm4b:s4+s2] =	stream.indirect_vreg.scatter [tilespmem:s23], [sflag:$0x1], $0x80, v3, vm0, $0xb8;
	[tilespmem:$0x10100] =	vst v63  }
0x31: {  	_ = 	snop  }
0x32: {  	[hbm4b:s5+s2] =	stream.indirect_vreg.scatter [tilespmem:s24], [sflag:$0x1], $0x80, v3, vm0, $0xb8;
	[tilespmem:$0x10100] =	vst v63  }
0x33: {  	_ = 	snop  }
0x34: {  	[hbm4b:s6+s2] =	stream.indirect_vreg.scatter [tilespmem:s25], [sflag:$0x1], $0x80, v3, vm0, $0xb8;
	[tilespmem:$0x10100] =	vst v63  }
0x35: {  	v3 =	vld [tilespmem:$0x10];
	_ =	sdelay $0x4  }
0x36: {  	v57 =	vshll.u32 v3, $0x3  }
0x37: {  	v3 =	vand.u32 $0x7, v3;
	v4 =	vand.u32 $0xFFFFFFC0, v57  }
0x38: {  	v3 =	vor.u32 v3, v4  }
0x39: {  	v4 =	vperm.xlane v3, v0;
	_ =	sdelay $0x1  }
0x3a: {  	v4 =	vadd.s32 v1, v4;
	_ =	sdelay $0x4  }
0x3b: {  	[hbm4b:s3+s2] =	stream.indirect_vreg.scatter [tilespmem:s26], [sflag:$0x1], $0x80, v4, vm0, $0xb8;
	[tilespmem:$0x10100] =	vst v63  }
0x3c: {  	v3 =	vperm.xlane v3, v2  }
0x3d: {  	[hbm4b:s4+s2] =	stream.indirect_vreg.scatter [tilespmem:s28], [sflag:$0x1], $0x80, v4, vm0, $0xb8;
	[tilespmem:$0x10100] =	vst v63  }
0x3e: {  	v3 =	vadd.s32 v1, v3  }
0x3f: {  	[hbm4b:s5+s2] =	stream.indirect_vreg.scatter [tilespmem:s29], [sflag:$0x1], $0x80, v4, vm0, $0xb8;
	[tilespmem:$0x10100] =	vst v63  }
0x40: {  	_ = 	snop  }
0x41: {  	[hbm4b:s6+s2] =	stream.indirect_vreg.scatter [tilespmem:s30], [sflag:$0x1], $0x80, v4, vm0, $0xb8;
	[tilespmem:$0x10100] =	vst v63  }
0x42: {  	_ = 	snop  }
0x43: {  	[hbm4b:s3+s2] =	stream.indirect_vreg.scatter [tilespmem:s31], [sflag:$0x1], $0x80, v3, vm0, $0xb8;
	[tilespmem:$0x10100] =	vst v63  }
0x44: {  	s1 =	simm.s32 $0x6900  }
0x45: {  	[hbm4b:s4+s2] =	stream.indirect_vreg.scatter [tilespmem:s1], [sflag:$0x1], $0x80, v3, vm0, $0xb8;
	[tilespmem:$0x10100] =	vst v63  }
0x46: {  	s0 =	simm.s32 $0x7100  }
0x47: {  	[hbm4b:s5+s2] =	stream.indirect_vreg.scatter [tilespmem:s0], [sflag:$0x1], $0x80, v3, vm0, $0xb8;
	[tilespmem:$0x10100] =	vst v63  }
0x48: {  	_ = 	snop  }
0x49: {  	[hbm4b:s6+s2] =	stream.indirect_vreg.scatter [tilespmem:s10], [sflag:$0x1], $0x80, v3, vm0, $0xb8;
	[tilespmem:$0x10100] =	vst v63  }
0x4a: {  	v3 =	vld [tilespmem:$0x20];
	_ =	sdelay $0x4  }
0x4b: {  	v58 =	vshll.u32 v3, $0x3  }
0x4c: {  	v3 =	vand.u32 $0x7, v3;
	v4 =	vand.u32 $0xFFFFFFC0, v58  }
0x4d: {  	v3 =	vor.u32 v3, v4  }
0x4e: {  	v4 =	vperm.xlane v3, v0;
	_ =	sdelay $0x1  }
0x4f: {  	v4 =	vadd.s32 v1, v4;
	_ =	sdelay $0x4  }
0x50: {  	[hbm4b:s3+s2] =	stream.indirect_vreg.scatter [tilespmem:s11], [sflag:$0x1], $0x80, v4, vm0, $0xb8;
	[tilespmem:$0x10100] =	vst v63  }
0x51: {  	v3 =	vperm.xlane v3, v2  }
0x52: {  	[hbm4b:s4+s2] =	stream.indirect_vreg.scatter [tilespmem:s12], [sflag:$0x1], $0x80, v4, vm0, $0xb8;
	[tilespmem:$0x10100] =	vst v63  }
0x53: {  	v3 =	vadd.s32 v1, v3  }
0x54: {  	[hbm4b:s5+s2] =	stream.indirect_vreg.scatter [tilespmem:s13], [sflag:$0x1], $0x80, v4, vm0, $0xb8;
	[tilespmem:$0x10100] =	vst v63  }
0x55: {  	_ = 	snop  }
0x56: {  	[hbm4b:s6+s2] =	stream.indirect_vreg.scatter [tilespmem:s14], [sflag:$0x1], $0x80, v4, vm0, $0xb8;
	[tilespmem:$0x10100] =	vst v63  }
0x57: {  	_ = 	snop  }
0x58: {  	[hbm4b:s3+s2] =	stream.indirect_vreg.scatter [tilespmem:s15], [sflag:$0x1], $0x80, v3, vm0, $0xb8;
	[tilespmem:$0x10100] =	vst v63  }
0x59: {  	_ = 	snop  }
0x5a: {  	[hbm4b:s4+s2] =	stream.indirect_vreg.scatter [tilespmem:s16], [sflag:$0x1], $0x80, v3, vm0, $0xb8;
	[tilespmem:$0x10100] =	vst v63  }
0x5b: {  	_ = 	snop  }
0x5c: {  	[hbm4b:s5+s2] =	stream.indirect_vreg.scatter [tilespmem:s17], [sflag:$0x1], $0x80, v3, vm0, $0xb8;
	[tilespmem:$0x10100] =	vst v63  }
0x5d: {  	_ = 	snop  }
0x5e: {  	[hbm4b:s6+s2] =	stream.indirect_vreg.scatter [tilespmem:s9], [sflag:$0x1], $0x80, v3, vm0, $0xb8;
	[tilespmem:$0x10100] =	vst v63  }
0x5f: {  	v3 =	vld [tilespmem:$0x30];
	_ =	sdelay $0x4  }
0x60: {  	v59 =	vshll.u32 v3, $0x3  }
0x61: {  	v3 =	vand.u32 $0x7, v3;
	v4 =	vand.u32 $0xFFFFFFC0, v59  }
0x62: {  	v3 =	vor.u32 v3, v4  }
0x63: {  	v4 =	vperm.xlane v3, v0;
	_ =	sdelay $0x1  }
0x64: {  	v4 =	vadd.s32 v1, v4;
	_ =	sdelay $0x3  }
0x65: {  	s0 =	simm.s32 $0xC100  }
0x66: {  	[hbm4b:s3+s2] =	stream.indirect_vreg.scatter [tilespmem:s0], [sflag:$0x1], $0x80, v4, vm0, $0xb8;
	[tilespmem:$0x10100] =	vst v63  }
0x67: {  	v3 =	vperm.xlane v3, v2;
	s0 =	simm.s32 $0xC900  }
0x68: {  	[hbm4b:s4+s2] =	stream.indirect_vreg.scatter [tilespmem:s0], [sflag:$0x1], $0x80, v4, vm0, $0xb8;
	[tilespmem:$0x10100] =	vst v63  }
0x69: {  	v3 =	vadd.s32 v1, v3;
	s0 =	simm.s32 $0xD100  }
0x6a: {  	[hbm4b:s5+s2] =	stream.indirect_vreg.scatter [tilespmem:s0], [sflag:$0x1], $0x80, v4, vm0, $0xb8;
	[tilespmem:$0x10100] =	vst v63  }
0x6b: {  	s0 =	simm.s32 $0xD900  }
0x6c: {  	[hbm4b:s6+s2] =	stream.indirect_vreg.scatter [tilespmem:s0], [sflag:$0x1], $0x80, v4, vm0, $0xb8;
	[tilespmem:$0x10100] =	vst v63  }
0x6d: {  	s0 =	simm.s32 $0xE100  }
0x6e: {  	[hbm4b:s3+s2] =	stream.indirect_vreg.scatter [tilespmem:s0], [sflag:$0x1], $0x80, v3, vm0, $0xb8;
	[tilespmem:$0x10100] =	vst v63  }
0x6f: {  	s0 =	simm.s32 $0xE900  }
0x70: {  	[hbm4b:s4+s2] =	stream.indirect_vreg.scatter [tilespmem:s0], [sflag:$0x1], $0x80, v3, vm0, $0xb8;
	[tilespmem:$0x10100] =	vst v63  }
0x71: {  	s0 =	simm.s32 $0xF100  }
0x72: {  	[hbm4b:s5+s2] =	stream.indirect_vreg.scatter [tilespmem:s0], [sflag:$0x1], $0x80, v3, vm0, $0xb8;
	[tilespmem:$0x10100] =	vst v63  }
0x73: {  	s0 =	simm.s32 $0xF900  }
0x74: {  	[hbm4b:s6+s2] =	stream.indirect_vreg.scatter [tilespmem:s0], [sflag:$0x1], $0x80, v3, vm0, $0xb8;
	[tilespmem:$0x10100] =	vst v63  }
0x75: {  	v3 =	vld [tilespmem:$0x80];
	_ =	sdelay $0x4  }
0x76: {  	v60 =	vshll.u32 v3, $0x3  }
0x77: {  	v3 =	vand.u32 $0x7, v3;
	v4 =	vand.u32 $0xFFFFFFC0, v60  }
0x78: {  	v3 =	vor.u32 v3, v4  }
0x79: {  	v4 =	vperm.xlane v3, v0;
	_ =	sdelay $0x1  }
0x7a: {  	v4 =	vadd.s32 v1, v4;
	_ =	sdelay $0x4  }
0x7b: {  	[hbm4b:s3+s2] =	stream.indirect_vreg.scatter [tilespmem:s18], [sflag:$0x1], $0x80, v4, vm0, $0xb8;
	[tilespmem:$0x10100] =	vst v63  }
0x7c: {  	v3 =	vperm.xlane v3, v2  }
0x7d: {  	[hbm4b:s4+s2] =	stream.indirect_vreg.scatter [tilespmem:s19], [sflag:$0x1], $0x80, v4, vm0, $0xb8;
	[tilespmem:$0x10100] =	vst v63  }
0x7e: {  	v3 =	vadd.s32 v1, v3  }
0x7f: {  	[hbm4b:s5+s2] =	stream.indirect_vreg.scatter [tilespmem:s20], [sflag:$0x1], $0x80, v4, vm0, $0xb8;
	[tilespmem:$0x10100] =	vst v63  }
0x80: {  	_ = 	snop  }
0x81: {  	[hbm4b:s6+s2] =	stream.indirect_vreg.scatter [tilespmem:s21], [sflag:$0x1], $0x80, v4, vm0, $0xb8;
	[tilespmem:$0x10100] =	vst v63  }
0x82: {  	_ = 	snop  }
0x83: {  	[hbm4b:s3+s2] =	stream.indirect_vreg.scatter [tilespmem:s22], [sflag:$0x1], $0x80, v3, vm0, $0xb8;
	[tilespmem:$0x10100] =	vst v63  }
0x84: {  	_ = 	snop  }
0x85: {  	[hbm4b:s4+s2] =	stream.indirect_vreg.scatter [tilespmem:s23], [sflag:$0x1], $0x80, v3, vm0, $0xb8;
	[tilespmem:$0x10100] =	vst v63  }
0x86: {  	_ = 	snop  }
0x87: {  	[hbm4b:s5+s2] =	stream.indirect_vreg.scatter [tilespmem:s24], [sflag:$0x1], $0x80, v3, vm0, $0xb8;
	[tilespmem:$0x10100] =	vst v63  }
0x88: {  	_ = 	snop  }
0x89: {  	[hbm4b:s6+s2] =	stream.indirect_vreg.scatter [tilespmem:s25], [sflag:$0x1], $0x80, v3, vm0, $0xb8;
	[tilespmem:$0x10100] =	vst v63  }
0x8a: {  	v3 =	vld [tilespmem:$0x90];
	_ =	sdelay $0x4  }
0x8b: {  	v61 =	vshll.u32 v3, $0x3  }
0x8c: {  	v3 =	vand.u32 $0x7, v3;
	v4 =	vand.u32 $0xFFFFFFC0, v61  }
0x8d: {  	v3 =	vor.u32 v3, v4  }
0x8e: {  	v4 =	vperm.xlane v3, v0;
	_ =	sdelay $0x1  }
0x8f: {  	v4 =	vadd.s32 v1, v4;
	_ =	sdelay $0x4  }
0x90: {  	[hbm4b:s3+s2] =	stream.indirect_vreg.scatter [tilespmem:s26], [sflag:$0x1], $0x80, v4, vm0, $0xb8;
	[tilespmem:$0x10100] =	vst v63  }
0x91: {  	v3 =	vperm.xlane v3, v2  }
0x92: {  	[hbm4b:s4+s2] =	stream.indirect_vreg.scatter [tilespmem:s28], [sflag:$0x1], $0x80, v4, vm0, $0xb8;
	[tilespmem:$0x10100] =	vst v63  }
0x93: {  	v3 =	vadd.s32 v1, v3  }
0x94: {  	[hbm4b:s5+s2] =	stream.indirect_vreg.scatter [tilespmem:s29], [sflag:$0x1], $0x80, v4, vm0, $0xb8;
	[tilespmem:$0x10100] =	vst v63  }
0x95: {  	_ = 	snop  }
0x96: {  	[hbm4b:s6+s2] =	stream.indirect_vreg.scatter [tilespmem:s30], [sflag:$0x1], $0x80, v4, vm0, $0xb8;
	[tilespmem:$0x10100] =	vst v63  }
0x97: {  	_ = 	snop  }
0x98: {  	[hbm4b:s3+s2] =	stream.indirect_vreg.scatter [tilespmem:s31], [sflag:$0x1], $0x80, v3, vm0, $0xb8;
	[tilespmem:$0x10100] =	vst v63  }
0x99: {  	_ = 	snop  }
0x9a: {  	[hbm4b:s4+s2] =	stream.indirect_vreg.scatter [tilespmem:s1], [sflag:$0x1], $0x80, v3, vm0, $0xb8;
	[tilespmem:$0x10100] =	vst v63  }
0x9b: {  	s20 =	simm.s32 $0x7100  }
0x9c: {  	[hbm4b:s5+s2] =	stream.indirect_vreg.scatter [tilespmem:s20], [sflag:$0x1], $0x80, v3, vm0, $0xb8;
	[tilespmem:$0x10100] =	vst v63  }
0x9d: {  	_ = 	snop  }
0x9e: {  	[hbm4b:s6+s2] =	stream.indirect_vreg.scatter [tilespmem:s10], [sflag:$0x1], $0x80, v3, vm0, $0xb8;
	[tilespmem:$0x10100] =	vst v63  }
0x9f: {  	v3 =	vld [tilespmem:$0xA0];
	_ =	sdelay $0x4  }
0xa0: {  	v62 =	vshll.u32 v3, $0x3  }
0xa1: {  	v3 =	vand.u32 $0x7, v3;
	v4 =	vand.u32 $0xFFFFFFC0, v62  }
0xa2: {  	v3 =	vor.u32 v3, v4  }
0xa3: {  	v4 =	vperm.xlane v3, v0;
	_ =	sdelay $0x1  }
0xa4: {  	v4 =	vadd.s32 v1, v4;
	_ =	sdelay $0x4  }
0xa5: {  	[hbm4b:s3+s2] =	stream.indirect_vreg.scatter [tilespmem:s11], [sflag:$0x1], $0x80, v4, vm0, $0xb8;
	[tilespmem:$0x10100] =	vst v63  }
0xa6: {  	v3 =	vperm.xlane v3, v2  }
0xa7: {  	[hbm4b:s4+s2] =	stream.indirect_vreg.scatter [tilespmem:s12], [sflag:$0x1], $0x80, v4, vm0, $0xb8;
	[tilespmem:$0x10100] =	vst v63  }
0xa8: {  	v3 =	vadd.s32 v1, v3  }
0xa9: {  	[hbm4b:s5+s2] =	stream.indirect_vreg.scatter [tilespmem:s13], [sflag:$0x1], $0x80, v4, vm0, $0xb8;
	[tilespmem:$0x10100] =	vst v63  }
0xaa: {  	_ = 	snop  }
0xab: {  	[hbm4b:s6+s2] =	stream.indirect_vreg.scatter [tilespmem:s14], [sflag:$0x1], $0x80, v4, vm0, $0xb8;
	[tilespmem:$0x10100] =	vst v63  }
0xac: {  	_ = 	snop  }
0xad: {  	[hbm4b:s3+s2] =	stream.indirect_vreg.scatter [tilespmem:s15], [sflag:$0x1], $0x80, v3, vm0, $0xb8;
	[tilespmem:$0x10100] =	vst v63  }
0xae: {  	_ = 	snop  }
0xaf: {  	[hbm4b:s4+s2] =	stream.indirect_vreg.scatter [tilespmem:s16], [sflag:$0x1], $0x80, v3, vm0, $0xb8;
	[tilespmem:$0x10100] =	vst v63  }
0xb0: {  	_ = 	snop  }
0xb1: {  	[hbm4b:s5+s2] =	stream.indirect_vreg.scatter [tilespmem:s17], [sflag:$0x1], $0x80, v3, vm0, $0xb8;
	[tilespmem:$0x10100] =	vst v63  }
0xb2: {  	_ = 	snop  }
0xb3: {  	[hbm4b:s6+s2] =	stream.indirect_vreg.scatter [tilespmem:s9], [sflag:$0x1], $0x80, v3, vm0, $0xb8;
	[tilespmem:$0x10100] =	vst v63  }
0xb4: {  	v3 =	vld [tilespmem:$0xB0];
	_ =	sdelay $0x4  }
0xb5: {  	v63 =	vshll.u32 v3, $0x3  }
0xb6: {  	v3 =	vand.u32 $0x7, v3;
	v4 =	vand.u32 $0xFFFFFFC0, v63  }
0xb7: {  	v3 =	vor.u32 v3, v4  }
0xb8: {  	v4 =	vperm.xlane v3, v0;
	_ =	sdelay $0x1  }
0xb9: {  	v4 =	vadd.s32 v1, v4;
	_ =	sdelay $0x3  }
0xba: {  	s19 =	simm.s32 $0xC100  }
0xbb: {  	[hbm4b:s3+s2] =	stream.indirect_vreg.scatter [tilespmem:s19], [sflag:$0x1], $0x80, v4, vm0, $0xb8;
	[tilespmem:$0x10100] =	vst v63  }
0xbc: {  	s20 =	simm.s32 $0xC900;
	v3 =	vperm.xlane v3, v2  }
0xbd: {  	[hbm4b:s4+s2] =	stream.indirect_vreg.scatter [tilespmem:s20], [sflag:$0x1], $0x80, v4, vm0, $0xb8;
	[tilespmem:$0x10100] =	vst v63  }
0xbe: {  	v3 =	vadd.s32 v1, v3;
	s19 =	simm.s32 $0xD100  }
0xbf: {  	[hbm4b:s5+s2] =	stream.indirect_vreg.scatter [tilespmem:s19], [sflag:$0x1], $0x80, v4, vm0, $0xb8;
	[tilespmem:$0x10100] =	vst v63  }
0xc0: {  	s20 =	simm.s32 $0xD900  }
0xc1: {  	[hbm4b:s6+s2] =	stream.indirect_vreg.scatter [tilespmem:s20], [sflag:$0x1], $0x80, v4, vm0, $0xb8;
	[tilespmem:$0x10100] =	vst v63  }
0xc2: {  	s19 =	simm.s32 $0xE100  }
0xc3: {  	[hbm4b:s3+s2] =	stream.indirect_vreg.scatter [tilespmem:s19], [sflag:$0x1], $0x80, v3, vm0, $0xb8;
	[tilespmem:$0x10100] =	vst v63  }
0xc4: {  	s20 =	simm.s32 $0xE900  }
0xc5: {  	[hbm4b:s4+s2] =	stream.indirect_vreg.scatter [tilespmem:s20], [sflag:$0x1], $0x80, v3, vm0, $0xb8;
	[tilespmem:$0x10100] =	vst v63  }
0xc6: {  	s19 =	simm.s32 $0xF100  }
0xc7: {  	[hbm4b:s5+s2] =	stream.indirect_vreg.scatter [tilespmem:s19], [sflag:$0x1], $0x80, v3, vm0, $0xb8;
	[tilespmem:$0x10100] =	vst v63  }
0xc8: {  	s20 =	simm.s32 $0x1  }
0xc9: {  	[hbm4b:s6+s2] =	stream.indirect_vreg.scatter [tilespmem:s0], [sflag:$0x1], $0x80, v3, vm0, $0xb8;
	[tilespmem:$0x10100] =	vst v63  }
0xca: {  	p0 =	sne.s32 s7, $0x1;
	_ =	swait.ge [sflag:s20], $0x10000  }
.Ltmp0:
0xcb: {  	[sflag:s20] =	ssyncset.done $0x0;
	(pc) =	sbr.rel @p0 .LBB2_1-.Ltmp0, $4  }
0xcc: {  	[sflag:s20] =	ssyncadd.s32 $0xFFFF0000  }
0xcd: {  	_ =	swait.ge [sflag:s20], $0x10000  }
0xce: {  	[sflag:s20] =	ssyncset.done $0x0  }
0xcf: {  	s7 =	sadd.s32 $0xFFFFFFFF, s7;
	[sflag:s20] =	ssyncadd.s32 $0xFFFF0000  }
0xd0: {  	_ =	sfence.sel $0x180000  }
0xd1: {  	[bflag:$0x0] =	sbarrier.arrive $0xFFFF  }
0xd2: {  	_ =	strace $0x90000047  }
0xd3: {  	s0 =	stileid.u32;
	[bflag:$0x2] =	sbarrier.arrive $0xFFFF  }
0xd4: {  	p0 =	sne.s32 s0, $0x0;
	s0 =	rddreg [dreg:$0x3]  }
0xd5: {  	s0 =	sadd.s32 @!p0 $0x100000, s0  }
0xd6: {  	[sflag:s0] =	ssyncadd.tile.s32 @!p0 $0x1;
	_ =	shalt  }
.Lfunc_end2:
_tile_overlayer_lowered:
.L_overlay_start_2:
0xd7: {  	(tag) =	ssettag $0x2  }
0xd8: {  	s0 =	rddreg [dreg:$0x0];
	s2 =	stileid.u32  }
0xd9: {  	s1 =	rddreg [dreg:$0x1];
	p0 =	sne.s32 s2, $0x0  }
0xda: {  	s3 =	rddreg [dreg:$0x2];
	[bflag:$0x3] =	sbarrier.arrive $0xFFFF;
	s2 =	simm.s32 @!p0 $0x1C02  }
0xdb: {  	[timem:s3], [sflag:s2] =	dma.local @!p0 [hbm:s0], s1  }
0xdc: {  	s0 =	simm.s32 @!p0 $0x2  }
0xdd: {  	_ =	swait.ge @!p0 [sflag:s0], s1  }
0xde: {  	s1 =	ssub.s32 @!p0 $0x0, s1;
	[sflag:s0] =	ssyncset.done @!p0 $0x0  }
0xdf: {  	[sflag:s0] =	ssyncadd.s32 @!p0 s1  }
0xe0: {  	[bflag:$0x3] =	sbarrier.arrive $0xFFFF  }
0xe1: {  	_ =	shalt  }

</sc_bundles>
